<compile_context>
chip_gen: v7x
topology: tpu7x:2x2x1
jax: 0.10.2.dev20260603
libtpu: 0.0.44.dev20260713+nightly
codegen_flags: <defaults>
</compile_context>

<pallas_src>
import functools

import jax
import jax.numpy as jnp
from jax import lax
from jax.experimental import pallas as pl
from jax.experimental.pallas import tpu as pltpu
from jax.experimental.pallas import tpu_sc as plsc

N_NODES = 10000
N_EDGES = 160000
BATCH = 256

L = 16
NC = 2
NS = 16
NW = NC * NS
ROWS = BATCH // NW
PAIRS = ROWS // 2
CHUNK = 3200
N_CHUNKS = N_EDGES // CHUNK


def _energy_body(spins_hbm, ij_hbm, lin_hbm, q_hbm, out_hbm,
                 pk0_v, pk1_v, pk2_v, pk3_v, st_a, st_b, lin_v,
                 ij_v, qv_v, ob_v, esem0, esem1, ssem0, ssem1):
    wid = lax.axis_index("s") * NC + lax.axis_index("c")
    base = wid * (ROWS * N_NODES)

    esems = (esem0, esem1)
    ssems = (ssem0, ssem1)
    sts = (st_a, st_b)
    pks = (pk0_v, pk1_v, pk2_v, pk3_v)

    def fire_edges(c, slot):
        off = c * CHUNK
        pltpu.async_copy(ij_hbm.at[pl.ds(off, CHUNK)], ij_v.at[slot], esems[slot])
        pltpu.async_copy(q_hbm.at[pl.ds(off, CHUNK)], qv_v.at[slot], esems[slot])

    def drain_edges(slot):
        pltpu.make_async_copy(ij_hbm.at[pl.ds(0, CHUNK)], ij_v.at[slot], esems[slot]).wait()
        pltpu.make_async_copy(q_hbm.at[pl.ds(0, CHUNK)], qv_v.at[slot], esems[slot]).wait()

    def fire_spins(p, slot):
        pltpu.async_copy(spins_hbm.at[pl.ds(base + 2 * p * N_NODES, 2 * N_NODES)],
                         sts[slot], ssems[slot])

    def drain_spins(slot):
        pltpu.make_async_copy(spins_hbm.at[pl.ds(0, 2 * N_NODES)],
                              sts[slot], ssems[slot]).wait()

    fire_spins(0, 0)
    fire_spins(1, 1)
    fire_edges(0, 0)
    fire_edges(1, 1)

    pltpu.sync_copy(lin_hbm, lin_v)

    zz = (jnp.zeros((L,), jnp.float32), jnp.zeros((L,), jnp.float32))
    accs = []
    for p in range(PAIRS):
        sslot = p % 2
        drain_spins(sslot)

        @plsc.parallel_loop(0, N_NODES // L, unroll=2, carry=zz)
        def lacc(v, lacc):
            a = sts[sslot][pl.ds(v * L, L)]
            b = sts[sslot][pl.ds(N_NODES + v * L, L)]
            pks[p][pl.ds(v * L, L)] = plsc.bitcast(
                plsc.pack(a, b, format=plsc.PackFormat.INTERLEAVED), jnp.int32)
            lv = lin_v[pl.ds(v * L, L)]
            return (lacc[0] + a * lv, lacc[1] + b * lv)

        accs += [lacc[0], lacc[1]]
        if p + 2 < PAIRS:
            fire_spins(p + 2, sslot)
    accs = tuple(accs)

    def chunk_pair(g, accs):
        for slot in range(2):
            c = g * 2 + slot
            drain_edges(slot)

            @plsc.parallel_loop(0, CHUNK // L, unroll=4, carry=accs)
            def accs(v, accs):
                ij = ij_v[slot, pl.ds(v * L, L)]
                iv = ij & 0xFFFF
                jv = lax.shift_right_logical(ij, 16)
                qv = qv_v[slot, pl.ds(v * L, L)]
                new = list(accs)
                for p in range(PAIRS):
                    ga = plsc.load_gather(pks[p], [iv])
                    gb = plsc.load_gather(pks[p], [jv])
                    prod = plsc.bitcast(ga, jnp.bfloat16) * plsc.bitcast(gb, jnp.bfloat16)
                    lo, hi = plsc.unpack(prod, format=plsc.PackFormat.INTERLEAVED)
                    new[2 * p] = new[2 * p] + qv * lo
                    new[2 * p + 1] = new[2 * p + 1] + qv * hi
                return tuple(new)

            @pl.when(c + 2 < N_CHUNKS)
            def _():
                fire_edges(c + 2, slot)
        return accs

    accs = lax.fori_loop(0, N_CHUNKS // 2, chunk_pair, accs)

    lane = lax.iota(jnp.int32, L)
    ob = jnp.zeros((L,), jnp.float32)
    for r in range(ROWS):
        ob = jnp.where(lane == r, jnp.sum(accs[r]), ob)
    ob_v[...] = ob
    pltpu.sync_copy(ob_v, out_hbm.at[wid])


_energy_kernel = functools.partial(
    pl.kernel,
    out_type=jax.ShapeDtypeStruct((NW, L), jnp.float32),
    mesh=plsc.VectorSubcoreMesh(core_axis_name="c", subcore_axis_name="s"),
    compiler_params=pltpu.CompilerParams(needs_layout_passes=False),
    scratch_types=[
        pltpu.VMEM((N_NODES,), jnp.int32),
        pltpu.VMEM((N_NODES,), jnp.int32),
        pltpu.VMEM((N_NODES,), jnp.int32),
        pltpu.VMEM((N_NODES,), jnp.int32),
        pltpu.VMEM((2 * N_NODES,), jnp.float32),
        pltpu.VMEM((2 * N_NODES,), jnp.float32),
        pltpu.VMEM((N_NODES,), jnp.float32),
        pltpu.VMEM((2, CHUNK), jnp.int32),
        pltpu.VMEM((2, CHUNK), jnp.float32),
        pltpu.VMEM((L,), jnp.float32),
        pltpu.SemaphoreType.DMA,
        pltpu.SemaphoreType.DMA,
        pltpu.SemaphoreType.DMA,
        pltpu.SemaphoreType.DMA,
    ],
)(_energy_body)


def kernel(spins, edge_idx_i, edge_idx_j, linear, quadratic):
    ij = edge_idx_i.astype(jnp.int32) | (edge_idx_j.astype(jnp.int32) << 16)
    out2d = _energy_kernel(spins.reshape(-1), ij, linear, quadratic)
    return out2d[:, :ROWS].reshape(BATCH)

# --- scband reference (transcript-rebuilt; emitter-appended) ---
"""Pipeline reference for scband-graph-restricted-boltzmann-machine-64682207478108 (READ-ONLY COPY).

The authoritative reference and input builder live on the scoring server;
editing this copy changes nothing except your own understanding.
"""

import jax, jax.numpy as jnp
import numpy as np

N_NODES = 10000
N_EDGES = 160000
BATCH = 256


def setup_inputs(seed: int = 0) -> dict:
    key = jax.random.key(seed)
    k1, k2, k3, k4, k5 = jax.random.split(key, 5)
    # spin configurations (forward input); math is linear in each spin so any real values are valid
    spins = jax.random.normal(k1, (BATCH, N_NODES), dtype=jnp.float32)
    # graph edge endpoint index buffers (built in __init__ from the edge list)
    edge_idx_i = jax.random.randint(k2, (N_EDGES,), 0, N_NODES)
    edge_idx_j = jax.random.randint(k3, (N_EDGES,), 0, N_NODES)
    # learned parameters, initialized exactly as in the torch module
    linear = (0.05 * (2.0 * jax.random.uniform(k4, (N_NODES,)) - 1.0)).astype(jnp.float32)
    quadratic = (5.0 * (2.0 * jax.random.uniform(k5, (N_EDGES,)) - 1.0)).astype(jnp.float32)
    return {
        "spins": spins,
        "edge_idx_i": edge_idx_i,
        "edge_idx_j": edge_idx_j,
        "linear": linear,
        "quadratic": quadratic,
    }


def reference(spins, edge_idx_i, edge_idx_j, linear, quadratic):
    # Ising energy of each spin configuration under the GRBM parameters:
    #   E(s) = sum_v h_v s_v + sum_{(i,j) in edges} J_ij s_i s_j
    # Gather spin values at both endpoints of every edge (memory-bound gather),
    # multiply by the per-edge quadratic bias, and reduce.
    s_i = jnp.take(spins, edge_idx_i, axis=1)  # [B, E] gather
    s_j = jnp.take(spins, edge_idx_j, axis=1)  # [B, E] gather
    linear_term = spins @ linear               # [B]
    quadratic_term = (s_i * s_j) @ quadratic   # [B]
    energy = linear_term + quadratic_term
    return energy

if __name__ == "__main__":
    import jax
    _d = setup_inputs()
    print(jax.jit(kernel)(*tuple(_d.values())))

</pallas_src>

<mosaic_0001>
#map = affine_map<(d0, d1) -> (0)>
#map1 = affine_map<(d0, d1) -> (0, 0)>
module attributes {stable_mosaic.version = 14 : i64} {
  func.func @_energy_body(%arg0: i32, %arg1: i32, %arg2: memref<2560000xf32, #tpu.memory_space<hbm>>, %arg3: memref<160000xi32, #tpu.memory_space<hbm>>, %arg4: memref<10000xf32, #tpu.memory_space<hbm>>, %arg5: memref<160000xf32, #tpu.memory_space<hbm>>, %arg6: memref<32x16xf32, #tpu.memory_space<hbm>>, %arg7: memref<10000xi32, #tpu.memory_space<vmem>>, %arg8: memref<10000xi32, #tpu.memory_space<vmem>>, %arg9: memref<10000xi32, #tpu.memory_space<vmem>>, %arg10: memref<10000xi32, #tpu.memory_space<vmem>>, %arg11: memref<20000xf32, #tpu.memory_space<vmem>>, %arg12: memref<20000xf32, #tpu.memory_space<vmem>>, %arg13: memref<10000xf32, #tpu.memory_space<vmem>>, %arg14: memref<2x3200xi32, #tpu.memory_space<vmem>>, %arg15: memref<2x3200xf32, #tpu.memory_space<vmem>>, %arg16: memref<16xf32, #tpu.memory_space<vmem>>, %arg17: memref<!tpu.dma_semaphore, #tpu.memory_space<semaphore_mem>>, %arg18: memref<!tpu.dma_semaphore, #tpu.memory_space<semaphore_mem>>, %arg19: memref<!tpu.dma_semaphore, #tpu.memory_space<semaphore_mem>>, %arg20: memref<!tpu.dma_semaphore, #tpu.memory_space<semaphore_mem>>) attributes {dimension_semantics = [#tpu.dimension_semantics<core_parallel>, #tpu.dimension_semantics<subcore_parallel>], iteration_bounds = array<i64: 2, 16>, scalar_prefetch = 0 : i64, scratch_operands = 14 : i64, tpu.core_type = #tpu.core_type<sc_vector_subcore>, window_params = [{transform_indices = #map}, {transform_indices = #map}, {transform_indices = #map}, {transform_indices = #map}, {transform_indices = #map1}]} {
    %mul3A = arith.constant 2 : i32
    %mul3A_0 = arith.muli %arg1, %mul3A : i32
    %add3A = arith.addi %mul3A_0, %arg0 : i32
    %mul3A_1 = arith.constant 80000 : i32
    %mul3A_2 = arith.muli %add3A, %mul3A_1 : i32
    %add3A_3 = arith.constant 0 : i32
    %add3A_4 = arith.addi %mul3A_2, %add3A_3 : i32
    %dma_start3A = tpu.memref_slice %arg2[%add3A_4] : memref<2560000xf32, #tpu.memory_space<hbm>> -> memref<20000xf32, #tpu.memory_space<hbm>>
    %dma_start3A_5 = tpu.memref_slice %arg2[%add3A_4] : memref<2560000xf32, #tpu.memory_space<hbm>> -> memref<20000xf32, #tpu.memory_space<hbm>>
    tpu.enqueue_dma source(%dma_start3A_5 : memref<20000xf32, #tpu.memory_space<hbm>>) target(%arg11 : memref<20000xf32, #tpu.memory_space<vmem>>) target_semaphore(%arg19 : memref<!tpu.dma_semaphore, #tpu.memory_space<semaphore_mem>>)
    %add3A_6 = arith.constant 20000 : i32
    %add3A_7 = arith.addi %mul3A_2, %add3A_6 : i32
    %dma_start3A_8 = tpu.memref_slice %arg2[%add3A_7] : memref<2560000xf32, #tpu.memory_space<hbm>> -> memref<20000xf32, #tpu.memory_space<hbm>>
    %dma_start3A_9 = tpu.memref_slice %arg2[%add3A_7] : memref<2560000xf32, #tpu.memory_space<hbm>> -> memref<20000xf32, #tpu.memory_space<hbm>>
    tpu.enqueue_dma source(%dma_start3A_9 : memref<20000xf32, #tpu.memory_space<hbm>>) target(%arg12 : memref<20000xf32, #tpu.memory_space<vmem>>) target_semaphore(%arg20 : memref<!tpu.dma_semaphore, #tpu.memory_space<semaphore_mem>>)
    %dma_start3A_10 = arith.constant 0 : i32
    %dma_start3A_11 = arith.constant 0 : i32
    %dma_start3A_12 = tpu.memref_slice %arg14[%dma_start3A_10, %dma_start3A_11] : memref<2x3200xi32, #tpu.memory_space<vmem>> -> memref<1x3200xi32, #tpu.memory_space<vmem>>
    %dma_start3A_13 = tpu.memref_squeeze %dma_start3A_12 : memref<1x3200xi32, #tpu.memory_space<vmem>> -> memref<3200xi32, #tpu.memory_space<vmem>>
    %dma_start3A_14 = arith.constant 0 : i32
    %dma_start3A_15 = tpu.memref_slice %arg3[%dma_start3A_14] : memref<160000xi32, #tpu.memory_space<hbm>> -> memref<3200xi32, #tpu.memory_space<hbm>>
    %dma_start3A_16 = arith.constant 0 : i32
    %dma_start3A_17 = tpu.memref_slice %arg14[%dma_start3A_10, %dma_start3A_16] : memref<2x3200xi32, #tpu.memory_space<vmem>> -> memref<1x3200xi32, #tpu.memory_space<vmem>>
    %dma_start3A_18 = tpu.memref_squeeze %dma_start3A_17 : memref<1x3200xi32, #tpu.memory_space<vmem>> -> memref<3200xi32, #tpu.memory_space<vmem>>
    %dma_start3A_19 = arith.constant 0 : i32
    %dma_start3A_20 = tpu.memref_slice %arg3[%dma_start3A_19] : memref<160000xi32, #tpu.memory_space<hbm>> -> memref<3200xi32, #tpu.memory_space<hbm>>
    tpu.enqueue_dma source(%dma_start3A_20 : memref<3200xi32, #tpu.memory_space<hbm>>) target(%dma_start3A_18 : memref<3200xi32, #tpu.memory_space<vmem>>) target_semaphore(%arg17 : memref<!tpu.dma_semaphore, #tpu.memory_space<semaphore_mem>>)
    %dma_start3A_21 = arith.constant 0 : i32
    %dma_start3A_22 = arith.constant 0 : i32
    %dma_start3A_23 = tpu.memref_slice %arg15[%dma_start3A_21, %dma_start3A_22] : memref<2x3200xf32, #tpu.memory_space<vmem>> -> memref<1x3200xf32, #tpu.memory_space<vmem>>
    %dma_start3A_24 = tpu.memref_squeeze %dma_start3A_23 : memref<1x3200xf32, #tpu.memory_space<vmem>> -> memref<3200xf32, #tpu.memory_space<vmem>>
    %dma_start3A_25 = arith.constant 0 : i32
    %dma_start3A_26 = tpu.memref_slice %arg5[%dma_start3A_25] : memref<160000xf32, #tpu.memory_space<hbm>> -> memref<3200xf32, #tpu.memory_space<hbm>>
    %dma_start3A_27 = arith.constant 0 : i32
    %dma_start3A_28 = tpu.memref_slice %arg15[%dma_start3A_21, %dma_start3A_27] : memref<2x3200xf32, #tpu.memory_space<vmem>> -> memref<1x3200xf32, #tpu.memory_space<vmem>>
    %dma_start3A_29 = tpu.memref_squeeze %dma_start3A_28 : memref<1x3200xf32, #tpu.memory_space<vmem>> -> memref<3200xf32, #tpu.memory_space<vmem>>
    %dma_start3A_30 = arith.constant 0 : i32
    %dma_start3A_31 = tpu.memref_slice %arg5[%dma_start3A_30] : memref<160000xf32, #tpu.memory_space<hbm>> -> memref<3200xf32, #tpu.memory_space<hbm>>
    tpu.enqueue_dma source(%dma_start3A_31 : memref<3200xf32, #tpu.memory_space<hbm>>) target(%dma_start3A_29 : memref<3200xf32, #tpu.memory_space<vmem>>) target_semaphore(%arg17 : memref<!tpu.dma_semaphore, #tpu.memory_space<semaphore_mem>>)
    %dma_start3A_32 = arith.constant 1 : i32
    %dma_start3A_33 = arith.constant 0 : i32
    %dma_start3A_34 = tpu.memref_slice %arg14[%dma_start3A_32, %dma_start3A_33] : memref<2x3200xi32, #tpu.memory_space<vmem>> -> memref<1x3200xi32, #tpu.memory_space<vmem>>
    %dma_start3A_35 = tpu.memref_squeeze %dma_start3A_34 : memref<1x3200xi32, #tpu.memory_space<vmem>> -> memref<3200xi32, #tpu.memory_space<vmem>>
    %dma_start3A_36 = arith.constant 3200 : i32
    %dma_start3A_37 = tpu.memref_slice %arg3[%dma_start3A_36] : memref<160000xi32, #tpu.memory_space<hbm>> -> memref<3200xi32, #tpu.memory_space<hbm>>
    %dma_start3A_38 = arith.constant 0 : i32
    %dma_start3A_39 = tpu.memref_slice %arg14[%dma_start3A_32, %dma_start3A_38] : memref<2x3200xi32, #tpu.memory_space<vmem>> -> memref<1x3200xi32, #tpu.memory_space<vmem>>
    %dma_start3A_40 = tpu.memref_squeeze %dma_start3A_39 : memref<1x3200xi32, #tpu.memory_space<vmem>> -> memref<3200xi32, #tpu.memory_space<vmem>>
    %dma_start3A_41 = arith.constant 3200 : i32
    %dma_start3A_42 = tpu.memref_slice %arg3[%dma_start3A_41] : memref<160000xi32, #tpu.memory_space<hbm>> -> memref<3200xi32, #tpu.memory_space<hbm>>
    tpu.enqueue_dma source(%dma_start3A_42 : memref<3200xi32, #tpu.memory_space<hbm>>) target(%dma_start3A_40 : memref<3200xi32, #tpu.memory_space<vmem>>) target_semaphore(%arg18 : memref<!tpu.dma_semaphore, #tpu.memory_space<semaphore_mem>>)
    %dma_start3A_43 = arith.constant 1 : i32
    %dma_start3A_44 = arith.constant 0 : i32
    %dma_start3A_45 = tpu.memref_slice %arg15[%dma_start3A_43, %dma_start3A_44] : memref<2x3200xf32, #tpu.memory_space<vmem>> -> memref<1x3200xf32, #tpu.memory_space<vmem>>
    %dma_start3A_46 = tpu.memref_squeeze %dma_start3A_45 : memref<1x3200xf32, #tpu.memory_space<vmem>> -> memref<3200xf32, #tpu.memory_space<vmem>>
    %dma_start3A_47 = arith.constant 3200 : i32
    %dma_start3A_48 = tpu.memref_slice %arg5[%dma_start3A_47] : memref<160000xf32, #tpu.memory_space<hbm>> -> memref<3200xf32, #tpu.memory_space<hbm>>
    %dma_start3A_49 = arith.constant 0 : i32
    %dma_start3A_50 = tpu.memref_slice %arg15[%dma_start3A_43, %dma_start3A_49] : memref<2x3200xf32, #tpu.memory_space<vmem>> -> memref<1x3200xf32, #tpu.memory_space<vmem>>
    %dma_start3A_51 = tpu.memref_squeeze %dma_start3A_50 : memref<1x3200xf32, #tpu.memory_space<vmem>> -> memref<3200xf32, #tpu.memory_space<vmem>>
    %dma_start3A_52 = arith.constant 3200 : i32
    %dma_start3A_53 = tpu.memref_slice %arg5[%dma_start3A_52] : memref<160000xf32, #tpu.memory_space<hbm>> -> memref<3200xf32, #tpu.memory_space<hbm>>
    tpu.enqueue_dma source(%dma_start3A_53 : memref<3200xf32, #tpu.memory_space<hbm>>) target(%dma_start3A_51 : memref<3200xf32, #tpu.memory_space<vmem>>) target_semaphore(%arg18 : memref<!tpu.dma_semaphore, #tpu.memory_space<semaphore_mem>>)
    "tpu.region"() ({
      %run_scoped3A = tpu.sem_alloc : memref<!tpu.dma_semaphore, #tpu.memory_space<semaphore_mem>>
      tpu.enqueue_dma source(%arg4 : memref<10000xf32, #tpu.memory_space<hbm>>) target(%arg13 : memref<10000xf32, #tpu.memory_space<vmem>>) target_semaphore(%run_scoped3A : memref<!tpu.dma_semaphore, #tpu.memory_space<semaphore_mem>>)
      tpu.wait_dma2 semaphore(%run_scoped3A : memref<!tpu.dma_semaphore, #tpu.memory_space<semaphore_mem>>) src(%arg4 : memref<10000xf32, #tpu.memory_space<hbm>>) dst(%arg13 : memref<10000xf32, #tpu.memory_space<vmem>>)
      tpu.yield
    }) : () -> ()
    %broadcast_in_dim3A = arith.constant 0.000000e+00 : f32
    %broadcast_in_dim3A_54 = vector.broadcast %broadcast_in_dim3A : f32 to vector<16xf32>
    %broadcast_in_dim3A_55 = arith.constant 0.000000e+00 : f32
    %broadcast_in_dim3A_56 = vector.broadcast %broadcast_in_dim3A_55 : f32 to vector<16xf32>
    %dma_wait3A = arith.constant 0 : i32
    %dma_wait3A_57 = tpu.memref_slice %arg2[%dma_wait3A] : memref<2560000xf32, #tpu.memory_space<hbm>> -> memref<20000xf32, #tpu.memory_space<hbm>>
    %dma_wait3A_58 = arith.constant 0 : i32
    %dma_wait3A_59 = tpu.memref_slice %arg2[%dma_wait3A_58] : memref<2560000xf32, #tpu.memory_space<hbm>> -> memref<20000xf32, #tpu.memory_space<hbm>>
    tpu.wait_dma2 semaphore(%arg19 : memref<!tpu.dma_semaphore, #tpu.memory_space<semaphore_mem>>) src(%dma_wait3A_59 : memref<20000xf32, #tpu.memory_space<hbm>>) dst(%arg11 : memref<20000xf32, #tpu.memory_space<vmem>>)
    %parallel_loop3A = arith.constant 0 : i32
    %parallel_loop3A_60 = arith.constant 625 : i32
    %parallel_loop3A_61 = arith.constant 1 : i32
    %parallel_loop3A_62:2 = scf.for %parallel_loop3A_172 = %parallel_loop3A to %parallel_loop3A_60 step %parallel_loop3A_61 iter_args(%parallel_loop3A_173 = %broadcast_in_dim3A_54, %parallel_loop3A_174 = %broadcast_in_dim3A_56) -> (vector<16xf32>, vector<16xf32>)  : i32 {
      %parallel_loop3A_175 = arith.constant 16 : i32
      %parallel_loop3A_176 = arith.muli %parallel_loop3A_172, %parallel_loop3A_175 : i32
      %parallel_loop3A_177 = arith.index_cast %parallel_loop3A_176 : i32 to index
      %parallel_loop3A_178 = tpu.vector_load %arg11[%parallel_loop3A_177] {strides = array<i32>} : memref<20000xf32, #tpu.memory_space<vmem>>, vector<16xf32>,
      %parallel_loop3A_179 = arith.constant 16 : i32
      %parallel_loop3A_180 = arith.muli %parallel_loop3A_172, %parallel_loop3A_179 : i32
      %parallel_loop3A_181 = arith.constant 10000 : i32
      %parallel_loop3A_182 = arith.addi %parallel_loop3A_181, %parallel_loop3A_180 : i32
      %parallel_loop3A_183 = arith.index_cast %parallel_loop3A_182 : i32 to index
      %parallel_loop3A_184 = tpu.vector_load %arg11[%parallel_loop3A_183] {strides = array<i32>} : memref<20000xf32, #tpu.memory_space<vmem>>, vector<16xf32>,
      %parallel_loop3A_185 = tpu.pack_subelements %parallel_loop3A_178, %parallel_loop3A_184 {pack_format = #tpu.pack_format<interleaved>, positions = array<i32: 0, 1>} : vector<16xf32>, vector<16xf32> -> vector<32xbf16>
      %parallel_loop3A_186 = vector.bitcast %parallel_loop3A_185 : vector<32xbf16> to vector<16xi32>
      %parallel_loop3A_187 = arith.constant 16 : i32
      %parallel_loop3A_188 = arith.muli %parallel_loop3A_172, %parallel_loop3A_187 : i32
      %parallel_loop3A_189 = arith.index_cast %parallel_loop3A_188 : i32 to index
      %parallel_loop3A_190 = tpu.vector_load %arg7[%parallel_loop3A_189] {strides = array<i32>} : memref<10000xi32, #tpu.memory_space<vmem>>, vector<16xi32>,
      tpu.vector_store %arg7[%parallel_loop3A_189], %parallel_loop3A_186 {strides = array<i32>} : memref<10000xi32, #tpu.memory_space<vmem>>, vector<16xi32>,
      %parallel_loop3A_191 = arith.constant 16 : i32
      %parallel_loop3A_192 = arith.muli %parallel_loop3A_172, %parallel_loop3A_191 : i32
      %parallel_loop3A_193 = arith.index_cast %parallel_loop3A_192 : i32 to index
      %parallel_loop3A_194 = tpu.vector_load %arg13[%parallel_loop3A_193] {strides = array<i32>} : memref<10000xf32, #tpu.memory_space<vmem>>, vector<16xf32>,
      %parallel_loop3A_195 = arith.mulf %parallel_loop3A_178, %parallel_loop3A_194 : vector<16xf32>
      %parallel_loop3A_196 = arith.addf %parallel_loop3A_173, %parallel_loop3A_195 : vector<16xf32>
      %parallel_loop3A_197 = arith.mulf %parallel_loop3A_184, %parallel_loop3A_194 : vector<16xf32>
      %parallel_loop3A_198 = arith.addf %parallel_loop3A_174, %parallel_loop3A_197 : vector<16xf32>
      scf.yield %parallel_loop3A_196, %parallel_loop3A_198 : vector<16xf32>, vector<16xf32>
    } {sc.loop_unroll_factor = 2 : i64, sc.parallel_access}
    %add3A_63 = arith.constant 40000 : i32
    %add3A_64 = arith.addi %mul3A_2, %add3A_63 : i32
    %dma_start3A_65 = tpu.memref_slice %arg2[%add3A_64] : memref<2560000xf32, #tpu.memory_space<hbm>> -> memref<20000xf32, #tpu.memory_space<hbm>>
    %dma_start3A_66 = tpu.memref_slice %arg2[%add3A_64] : memref<2560000xf32, #tpu.memory_space<hbm>> -> memref<20000xf32, #tpu.memory_space<hbm>>
    tpu.enqueue_dma source(%dma_start3A_66 : memref<20000xf32, #tpu.memory_space<hbm>>) target(%arg11 : memref<20000xf32, #tpu.memory_space<vmem>>) target_semaphore(%arg19 : memref<!tpu.dma_semaphore, #tpu.memory_space<semaphore_mem>>)
    %dma_wait3A_67 = arith.constant 0 : i32
    %dma_wait3A_68 = tpu.memref_slice %arg2[%dma_wait3A_67] : memref<2560000xf32, #tpu.memory_space<hbm>> -> memref<20000xf32, #tpu.memory_space<hbm>>
    %dma_wait3A_69 = arith.constant 0 : i32
    %dma_wait3A_70 = tpu.memref_slice %arg2[%dma_wait3A_69] : memref<2560000xf32, #tpu.memory_space<hbm>> -> memref<20000xf32, #tpu.memory_space<hbm>>
    tpu.wait_dma2 semaphore(%arg20 : memref<!tpu.dma_semaphore, #tpu.memory_space<semaphore_mem>>) src(%dma_wait3A_70 : memref<20000xf32, #tpu.memory_space<hbm>>) dst(%arg12 : memref<20000xf32, #tpu.memory_space<vmem>>)
    %parallel_loop3A_71 = arith.constant 0 : i32
    %parallel_loop3A_72 = arith.constant 625 : i32
    %parallel_loop3A_73 = arith.constant 1 : i32
    %parallel_loop3A_74:2 = scf.for %parallel_loop3A_172 = %parallel_loop3A_71 to %parallel_loop3A_72 step %parallel_loop3A_73 iter_args(%parallel_loop3A_173 = %broadcast_in_dim3A_54, %parallel_loop3A_174 = %broadcast_in_dim3A_56) -> (vector<16xf32>, vector<16xf32>)  : i32 {
      %parallel_loop3A_175 = arith.constant 16 : i32
      %parallel_loop3A_176 = arith.muli %parallel_loop3A_172, %parallel_loop3A_175 : i32
      %parallel_loop3A_177 = arith.index_cast %parallel_loop3A_176 : i32 to index
      %parallel_loop3A_178 = tpu.vector_load %arg12[%parallel_loop3A_177] {strides = array<i32>} : memref<20000xf32, #tpu.memory_space<vmem>>, vector<16xf32>,
      %parallel_loop3A_179 = arith.constant 16 : i32
      %parallel_loop3A_180 = arith.muli %parallel_loop3A_172, %parallel_loop3A_179 : i32
      %parallel_loop3A_181 = arith.constant 10000 : i32
      %parallel_loop3A_182 = arith.addi %parallel_loop3A_181, %parallel_loop3A_180 : i32
      %parallel_loop3A_183 = arith.index_cast %parallel_loop3A_182 : i32 to index
      %parallel_loop3A_184 = tpu.vector_load %arg12[%parallel_loop3A_183] {strides = array<i32>} : memref<20000xf32, #tpu.memory_space<vmem>>, vector<16xf32>,
      %parallel_loop3A_185 = tpu.pack_subelements %parallel_loop3A_178, %parallel_loop3A_184 {pack_format = #tpu.pack_format<interleaved>, positions = array<i32: 0, 1>} : vector<16xf32>, vector<16xf32> -> vector<32xbf16>
      %parallel_loop3A_186 = vector.bitcast %parallel_loop3A_185 : vector<32xbf16> to vector<16xi32>
      %parallel_loop3A_187 = arith.constant 16 : i32
      %parallel_loop3A_188 = arith.muli %parallel_loop3A_172, %parallel_loop3A_187 : i32
      %parallel_loop3A_189 = arith.index_cast %parallel_loop3A_188 : i32 to index
      %parallel_loop3A_190 = tpu.vector_load %arg8[%parallel_loop3A_189] {strides = array<i32>} : memref<10000xi32, #tpu.memory_space<vmem>>, vector<16xi32>,
      tpu.vector_store %arg8[%parallel_loop3A_189], %parallel_loop3A_186 {strides = array<i32>} : memref<10000xi32, #tpu.memory_space<vmem>>, vector<16xi32>,
      %parallel_loop3A_191 = arith.constant 16 : i32
      %parallel_loop3A_192 = arith.muli %parallel_loop3A_172, %parallel_loop3A_191 : i32
      %parallel_loop3A_193 = arith.index_cast %parallel_loop3A_192 : i32 to index
      %parallel_loop3A_194 = tpu.vector_load %arg13[%parallel_loop3A_193] {strides = array<i32>} : memref<10000xf32, #tpu.memory_space<vmem>>, vector<16xf32>,
      %parallel_loop3A_195 = arith.mulf %parallel_loop3A_178, %parallel_loop3A_194 : vector<16xf32>
      %parallel_loop3A_196 = arith.addf %parallel_loop3A_173, %parallel_loop3A_195 : vector<16xf32>
      %parallel_loop3A_197 = arith.mulf %parallel_loop3A_184, %parallel_loop3A_194 : vector<16xf32>
      %parallel_loop3A_198 = arith.addf %parallel_loop3A_174, %parallel_loop3A_197 : vector<16xf32>
      scf.yield %parallel_loop3A_196, %parallel_loop3A_198 : vector<16xf32>, vector<16xf32>
    } {sc.loop_unroll_factor = 2 : i64, sc.parallel_access}
    %add3A_75 = arith.constant 60000 : i32
    %add3A_76 = arith.addi %mul3A_2, %add3A_75 : i32
    %dma_start3A_77 = tpu.memref_slice %arg2[%add3A_76] : memref<2560000xf32, #tpu.memory_space<hbm>> -> memref<20000xf32, #tpu.memory_space<hbm>>
    %dma_start3A_78 = tpu.memref_slice %arg2[%add3A_76] : memref<2560000xf32, #tpu.memory_space<hbm>> -> memref<20000xf32, #tpu.memory_space<hbm>>
    tpu.enqueue_dma source(%dma_start3A_78 : memref<20000xf32, #tpu.memory_space<hbm>>) target(%arg12 : memref<20000xf32, #tpu.memory_space<vmem>>) target_semaphore(%arg20 : memref<!tpu.dma_semaphore, #tpu.memory_space<semaphore_mem>>)
    %dma_wait3A_79 = arith.constant 0 : i32
    %dma_wait3A_80 = tpu.memref_slice %arg2[%dma_wait3A_79] : memref<2560000xf32, #tpu.memory_space<hbm>> -> memref<20000xf32, #tpu.memory_space<hbm>>
    %dma_wait3A_81 = arith.constant 0 : i32
    %dma_wait3A_82 = tpu.memref_slice %arg2[%dma_wait3A_81] : memref<2560000xf32, #tpu.memory_space<hbm>> -> memref<20000xf32, #tpu.memory_space<hbm>>
    tpu.wait_dma2 semaphore(%arg19 : memref<!tpu.dma_semaphore, #tpu.memory_space<semaphore_mem>>) src(%dma_wait3A_82 : memref<20000xf32, #tpu.memory_space<hbm>>) dst(%arg11 : memref<20000xf32, #tpu.memory_space<vmem>>)
    %parallel_loop3A_83 = arith.constant 0 : i32
    %parallel_loop3A_84 = arith.constant 625 : i32
    %parallel_loop3A_85 = arith.constant 1 : i32
    %parallel_loop3A_86:2 = scf.for %parallel_loop3A_172 = %parallel_loop3A_83 to %parallel_loop3A_84 step %parallel_loop3A_85 iter_args(%parallel_loop3A_173 = %broadcast_in_dim3A_54, %parallel_loop3A_174 = %broadcast_in_dim3A_56) -> (vector<16xf32>, vector<16xf32>)  : i32 {
      %parallel_loop3A_175 = arith.constant 16 : i32
      %parallel_loop3A_176 = arith.muli %parallel_loop3A_172, %parallel_loop3A_175 : i32
      %parallel_loop3A_177 = arith.index_cast %parallel_loop3A_176 : i32 to index
      %parallel_loop3A_178 = tpu.vector_load %arg11[%parallel_loop3A_177] {strides = array<i32>} : memref<20000xf32, #tpu.memory_space<vmem>>, vector<16xf32>,
      %parallel_loop3A_179 = arith.constant 16 : i32
      %parallel_loop3A_180 = arith.muli %parallel_loop3A_172, %parallel_loop3A_179 : i32
      %parallel_loop3A_181 = arith.constant 10000 : i32
      %parallel_loop3A_182 = arith.addi %parallel_loop3A_181, %parallel_loop3A_180 : i32
      %parallel_loop3A_183 = arith.index_cast %parallel_loop3A_182 : i32 to index
      %parallel_loop3A_184 = tpu.vector_load %arg11[%parallel_loop3A_183] {strides = array<i32>} : memref<20000xf32, #tpu.memory_space<vmem>>, vector<16xf32>,
      %parallel_loop3A_185 = tpu.pack_subelements %parallel_loop3A_178, %parallel_loop3A_184 {pack_format = #tpu.pack_format<interleaved>, positions = array<i32: 0, 1>} : vector<16xf32>, vector<16xf32> -> vector<32xbf16>
      %parallel_loop3A_186 = vector.bitcast %parallel_loop3A_185 : vector<32xbf16> to vector<16xi32>
      %parallel_loop3A_187 = arith.constant 16 : i32
      %parallel_loop3A_188 = arith.muli %parallel_loop3A_172, %parallel_loop3A_187 : i32
      %parallel_loop3A_189 = arith.index_cast %parallel_loop3A_188 : i32 to index
      %parallel_loop3A_190 = tpu.vector_load %arg9[%parallel_loop3A_189] {strides = array<i32>} : memref<10000xi32, #tpu.memory_space<vmem>>, vector<16xi32>,
      tpu.vector_store %arg9[%parallel_loop3A_189], %parallel_loop3A_186 {strides = array<i32>} : memref<10000xi32, #tpu.memory_space<vmem>>, vector<16xi32>,
      %parallel_loop3A_191 = arith.constant 16 : i32
      %parallel_loop3A_192 = arith.muli %parallel_loop3A_172, %parallel_loop3A_191 : i32
      %parallel_loop3A_193 = arith.index_cast %parallel_loop3A_192 : i32 to index
      %parallel_loop3A_194 = tpu.vector_load %arg13[%parallel_loop3A_193] {strides = array<i32>} : memref<10000xf32, #tpu.memory_space<vmem>>, vector<16xf32>,
      %parallel_loop3A_195 = arith.mulf %parallel_loop3A_178, %parallel_loop3A_194 : vector<16xf32>
      %parallel_loop3A_196 = arith.addf %parallel_loop3A_173, %parallel_loop3A_195 : vector<16xf32>
      %parallel_loop3A_197 = arith.mulf %parallel_loop3A_184, %parallel_loop3A_194 : vector<16xf32>
      %parallel_loop3A_198 = arith.addf %parallel_loop3A_174, %parallel_loop3A_197 : vector<16xf32>
      scf.yield %parallel_loop3A_196, %parallel_loop3A_198 : vector<16xf32>, vector<16xf32>
    } {sc.loop_unroll_factor = 2 : i64, sc.parallel_access}
    %dma_wait3A_87 = arith.constant 0 : i32
    %dma_wait3A_88 = tpu.memref_slice %arg2[%dma_wait3A_87] : memref<2560000xf32, #tpu.memory_space<hbm>> -> memref<20000xf32, #tpu.memory_space<hbm>>
    %dma_wait3A_89 = arith.constant 0 : i32
    %dma_wait3A_90 = tpu.memref_slice %arg2[%dma_wait3A_89] : memref<2560000xf32, #tpu.memory_space<hbm>> -> memref<20000xf32, #tpu.memory_space<hbm>>
    tpu.wait_dma2 semaphore(%arg20 : memref<!tpu.dma_semaphore, #tpu.memory_space<semaphore_mem>>) src(%dma_wait3A_90 : memref<20000xf32, #tpu.memory_space<hbm>>) dst(%arg12 : memref<20000xf32, #tpu.memory_space<vmem>>)
    %parallel_loop3A_91 = arith.constant 0 : i32
    %parallel_loop3A_92 = arith.constant 625 : i32
    %parallel_loop3A_93 = arith.constant 1 : i32
    %parallel_loop3A_94:2 = scf.for %parallel_loop3A_172 = %parallel_loop3A_91 to %parallel_loop3A_92 step %parallel_loop3A_93 iter_args(%parallel_loop3A_173 = %broadcast_in_dim3A_54, %parallel_loop3A_174 = %broadcast_in_dim3A_56) -> (vector<16xf32>, vector<16xf32>)  : i32 {
      %parallel_loop3A_175 = arith.constant 16 : i32
      %parallel_loop3A_176 = arith.muli %parallel_loop3A_172, %parallel_loop3A_175 : i32
      %parallel_loop3A_177 = arith.index_cast %parallel_loop3A_176 : i32 to index
      %parallel_loop3A_178 = tpu.vector_load %arg12[%parallel_loop3A_177] {strides = array<i32>} : memref<20000xf32, #tpu.memory_space<vmem>>, vector<16xf32>,
      %parallel_loop3A_179 = arith.constant 16 : i32
      %parallel_loop3A_180 = arith.muli %parallel_loop3A_172, %parallel_loop3A_179 : i32
      %parallel_loop3A_181 = arith.constant 10000 : i32
      %parallel_loop3A_182 = arith.addi %parallel_loop3A_181, %parallel_loop3A_180 : i32
      %parallel_loop3A_183 = arith.index_cast %parallel_loop3A_182 : i32 to index
      %parallel_loop3A_184 = tpu.vector_load %arg12[%parallel_loop3A_183] {strides = array<i32>} : memref<20000xf32, #tpu.memory_space<vmem>>, vector<16xf32>,
      %parallel_loop3A_185 = tpu.pack_subelements %parallel_loop3A_178, %parallel_loop3A_184 {pack_format = #tpu.pack_format<interleaved>, positions = array<i32: 0, 1>} : vector<16xf32>, vector<16xf32> -> vector<32xbf16>
      %parallel_loop3A_186 = vector.bitcast %parallel_loop3A_185 : vector<32xbf16> to vector<16xi32>
      %parallel_loop3A_187 = arith.constant 16 : i32
      %parallel_loop3A_188 = arith.muli %parallel_loop3A_172, %parallel_loop3A_187 : i32
      %parallel_loop3A_189 = arith.index_cast %parallel_loop3A_188 : i32 to index
      %parallel_loop3A_190 = tpu.vector_load %arg10[%parallel_loop3A_189] {strides = array<i32>} : memref<10000xi32, #tpu.memory_space<vmem>>, vector<16xi32>,
      tpu.vector_store %arg10[%parallel_loop3A_189], %parallel_loop3A_186 {strides = array<i32>} : memref<10000xi32, #tpu.memory_space<vmem>>, vector<16xi32>,
      %parallel_loop3A_191 = arith.constant 16 : i32
      %parallel_loop3A_192 = arith.muli %parallel_loop3A_172, %parallel_loop3A_191 : i32
      %parallel_loop3A_193 = arith.index_cast %parallel_loop3A_192 : i32 to index
      %parallel_loop3A_194 = tpu.vector_load %arg13[%parallel_loop3A_193] {strides = array<i32>} : memref<10000xf32, #tpu.memory_space<vmem>>, vector<16xf32>,
      %parallel_loop3A_195 = arith.mulf %parallel_loop3A_178, %parallel_loop3A_194 : vector<16xf32>
      %parallel_loop3A_196 = arith.addf %parallel_loop3A_173, %parallel_loop3A_195 : vector<16xf32>
      %parallel_loop3A_197 = arith.mulf %parallel_loop3A_184, %parallel_loop3A_194 : vector<16xf32>
      %parallel_loop3A_198 = arith.addf %parallel_loop3A_174, %parallel_loop3A_197 : vector<16xf32>
      scf.yield %parallel_loop3A_196, %parallel_loop3A_198 : vector<16xf32>, vector<16xf32>
    } {sc.loop_unroll_factor = 2 : i64, sc.parallel_access}
    %scan3A = arith.constant 0 : i32
    %scan3A_95 = arith.constant 25 : i32
    %scan3A_96 = arith.addi %scan3A, %scan3A_95 : i32
    %scan3A_97 = arith.constant 1 : i32
    %scan3A_98:8 = scf.for %scan3A_172 = %scan3A to %scan3A_96 step %scan3A_97 iter_args(%scan3A_173 = %parallel_loop3A_62#0, %scan3A_174 = %parallel_loop3A_62#1, %scan3A_175 = %parallel_loop3A_74#0, %scan3A_176 = %parallel_loop3A_74#1, %scan3A_177 = %parallel_loop3A_86#0, %scan3A_178 = %parallel_loop3A_86#1, %scan3A_179 = %parallel_loop3A_94#0, %scan3A_180 = %parallel_loop3A_94#1) -> (vector<16xf32>, vector<16xf32>, vector<16xf32>, vector<16xf32>, vector<16xf32>, vector<16xf32>, vector<16xf32>, vector<16xf32>)  : i32 {
      %mul3A_181 = arith.constant 2 : i32
      %mul3A_182 = arith.muli %scan3A_172, %mul3A_181 : i32
      %add3A_183 = arith.constant 0 : i32
      %add3A_184 = arith.addi %mul3A_182, %add3A_183 : i32
      %dma_wait3A_185 = arith.constant 0 : i32
      %dma_wait3A_186 = arith.constant 0 : i32
      %dma_wait3A_187 = tpu.memref_slice %arg14[%dma_wait3A_185, %dma_wait3A_186] : memref<2x3200xi32, #tpu.memory_space<vmem>> -> memref<1x3200xi32, #tpu.memory_space<vmem>>
      %dma_wait3A_188 = tpu.memref_squeeze %dma_wait3A_187 : memref<1x3200xi32, #tpu.memory_space<vmem>> -> memref<3200xi32, #tpu.memory_space<vmem>>
      %dma_wait3A_189 = arith.constant 0 : i32
      %dma_wait3A_190 = tpu.memref_slice %arg3[%dma_wait3A_189] : memref<160000xi32, #tpu.memory_space<hbm>> -> memref<3200xi32, #tpu.memory_space<hbm>>
      %dma_wait3A_191 = arith.constant 0 : i32
      %dma_wait3A_192 = tpu.memref_slice %arg14[%dma_wait3A_185, %dma_wait3A_191] : memref<2x3200xi32, #tpu.memory_space<vmem>> -> memref<1x3200xi32, #tpu.memory_space<vmem>>
      %dma_wait3A_193 = tpu.memref_squeeze %dma_wait3A_192 : memref<1x3200xi32, #tpu.memory_space<vmem>> -> memref<3200xi32, #tpu.memory_space<vmem>>
      %dma_wait3A_194 = arith.constant 0 : i32
      %dma_wait3A_195 = tpu.memref_slice %arg3[%dma_wait3A_194] : memref<160000xi32, #tpu.memory_space<hbm>> -> memref<3200xi32, #tpu.memory_space<hbm>>
      tpu.wait_dma2 semaphore(%arg17 : memref<!tpu.dma_semaphore, #tpu.memory_space<semaphore_mem>>) src(%dma_wait3A_195 : memref<3200xi32, #tpu.memory_space<hbm>>) dst(%dma_wait3A_193 : memref<3200xi32, #tpu.memory_space<vmem>>)
      %dma_wait3A_196 = arith.constant 0 : i32
      %dma_wait3A_197 = arith.constant 0 : i32
      %dma_wait3A_198 = tpu.memref_slice %arg15[%dma_wait3A_196, %dma_wait3A_197] : memref<2x3200xf32, #tpu.memory_space<vmem>> -> memref<1x3200xf32, #tpu.memory_space<vmem>>
      %dma_wait3A_199 = tpu.memref_squeeze %dma_wait3A_198 : memref<1x3200xf32, #tpu.memory_space<vmem>> -> memref<3200xf32, #tpu.memory_space<vmem>>
      %dma_wait3A_200 = arith.constant 0 : i32
      %dma_wait3A_201 = tpu.memref_slice %arg5[%dma_wait3A_200] : memref<160000xf32, #tpu.memory_space<hbm>> -> memref<3200xf32, #tpu.memory_space<hbm>>
      %dma_wait3A_202 = arith.constant 0 : i32
      %dma_wait3A_203 = tpu.memref_slice %arg15[%dma_wait3A_196, %dma_wait3A_202] : memref<2x3200xf32, #tpu.memory_space<vmem>> -> memref<1x3200xf32, #tpu.memory_space<vmem>>
      %dma_wait3A_204 = tpu.memref_squeeze %dma_wait3A_203 : memref<1x3200xf32, #tpu.memory_space<vmem>> -> memref<3200xf32, #tpu.memory_space<vmem>>
      %dma_wait3A_205 = arith.constant 0 : i32
      %dma_wait3A_206 = tpu.memref_slice %arg5[%dma_wait3A_205] : memref<160000xf32, #tpu.memory_space<hbm>> -> memref<3200xf32, #tpu.memory_space<hbm>>
      tpu.wait_dma2 semaphore(%arg17 : memref<!tpu.dma_semaphore, #tpu.memory_space<semaphore_mem>>) src(%dma_wait3A_206 : memref<3200xf32, #tpu.memory_space<hbm>>) dst(%dma_wait3A_204 : memref<3200xf32, #tpu.memory_space<vmem>>)
      %parallel_loop3A_207 = arith.constant 0 : i32
      %parallel_loop3A_208 = arith.constant 200 : i32
      %parallel_loop3A_209 = arith.constant 1 : i32
      %parallel_loop3A_210:8 = scf.for %parallel_loop3A_252 = %parallel_loop3A_207 to %parallel_loop3A_208 step %parallel_loop3A_209 iter_args(%parallel_loop3A_253 = %scan3A_173, %parallel_loop3A_254 = %scan3A_174, %parallel_loop3A_255 = %scan3A_175, %parallel_loop3A_256 = %scan3A_176, %parallel_loop3A_257 = %scan3A_177, %parallel_loop3A_258 = %scan3A_178, %parallel_loop3A_259 = %scan3A_179, %parallel_loop3A_260 = %scan3A_180) -> (vector<16xf32>, vector<16xf32>, vector<16xf32>, vector<16xf32>, vector<16xf32>, vector<16xf32>, vector<16xf32>, vector<16xf32>)  : i32 {
        %parallel_loop3A_261 = arith.constant 16 : i32
        %parallel_loop3A_262 = arith.muli %parallel_loop3A_252, %parallel_loop3A_261 : i32
        %parallel_loop3A_263 = arith.constant 0 : i32
        %parallel_loop3A_264 = arith.index_cast %parallel_loop3A_263 : i32 to index
        %parallel_loop3A_265 = arith.index_cast %parallel_loop3A_262 : i32 to index
        %parallel_loop3A_266 = tpu.vector_load %arg14[%parallel_loop3A_264, %parallel_loop3A_265] {strides = array<i32>} : memref<2x3200xi32, #tpu.memory_space<vmem>>, vector<16xi32>,
        %parallel_loop3A_267 = arith.constant 65535 : i32
        %parallel_loop3A_268 = vector.broadcast %parallel_loop3A_267 : i32 to vector<16xi32>
        %parallel_loop3A_269 = arith.andi %parallel_loop3A_266, %parallel_loop3A_268 : vector<16xi32>
        %parallel_loop3A_270 = arith.constant 16 : i32
        %parallel_loop3A_271 = vector.broadcast %parallel_loop3A_270 : i32 to vector<16xi32>
        %parallel_loop3A_272 = arith.shrui %parallel_loop3A_266, %parallel_loop3A_271 : vector<16xi32>
        %parallel_loop3A_273 = arith.constant 16 : i32
        %parallel_loop3A_274 = arith.muli %parallel_loop3A_252, %parallel_loop3A_273 : i32
        %parallel_loop3A_275 = arith.constant 0 : i32
        %parallel_loop3A_276 = arith.index_cast %parallel_loop3A_275 : i32 to index
        %parallel_loop3A_277 = arith.index_cast %parallel_loop3A_274 : i32 to index
        %parallel_loop3A_278 = tpu.vector_load %arg15[%parallel_loop3A_276, %parallel_loop3A_277] {strides = array<i32>} : memref<2x3200xf32, #tpu.memory_space<vmem>>, vector<16xf32>,
        %parallel_loop3A_279 = tpu.vector_load_idx %arg7[%parallel_loop3A_269] : memref<10000xi32, #tpu.memory_space<vmem>>[vector<16xi32>], vector<16xi32>,
        %parallel_loop3A_280 = tpu.vector_load_idx %arg7[%parallel_loop3A_272] : memref<10000xi32, #tpu.memory_space<vmem>>[vector<16xi32>], vector<16xi32>,
        %parallel_loop3A_281 = vector.bitcast %parallel_loop3A_279 : vector<16xi32> to vector<32xbf16>
        %parallel_loop3A_282 = vector.bitcast %parallel_loop3A_280 : vector<16xi32> to vector<32xbf16>
        %parallel_loop3A_283 = arith.mulf %parallel_loop3A_281, %parallel_loop3A_282 : vector<32xbf16>
        %parallel_loop3A_284 = tpu.unpack_subelements %parallel_loop3A_283, 0 {pack_format = #tpu.pack_format<interleaved>} : vector<32xbf16> -> vector<16xf32>
        %parallel_loop3A_285 = tpu.unpack_subelements %parallel_loop3A_283, 1 {pack_format = #tpu.pack_format<interleaved>} : vector<32xbf16> -> vector<16xf32>
        %parallel_loop3A_286 = arith.mulf %parallel_loop3A_278, %parallel_loop3A_284 : vector<16xf32>
        %parallel_loop3A_287 = arith.addf %parallel_loop3A_253, %parallel_loop3A_286 : vector<16xf32>
        %parallel_loop3A_288 = arith.mulf %parallel_loop3A_278, %parallel_loop3A_285 : vector<16xf32>
        %parallel_loop3A_289 = arith.addf %parallel_loop3A_254, %parallel_loop3A_288 : vector<16xf32>
        %parallel_loop3A_290 = tpu.vector_load_idx %arg8[%parallel_loop3A_269] : memref<10000xi32, #tpu.memory_space<vmem>>[vector<16xi32>], vector<16xi32>,
        %parallel_loop3A_291 = tpu.vector_load_idx %arg8[%parallel_loop3A_272] : memref<10000xi32, #tpu.memory_space<vmem>>[vector<16xi32>], vector<16xi32>,
        %parallel_loop3A_292 = vector.bitcast %parallel_loop3A_290 : vector<16xi32> to vector<32xbf16>
        %parallel_loop3A_293 = vector.bitcast %parallel_loop3A_291 : vector<16xi32> to vector<32xbf16>
        %parallel_loop3A_294 = arith.mulf %parallel_loop3A_292, %parallel_loop3A_293 : vector<32xbf16>
        %parallel_loop3A_295 = tpu.unpack_subelements %parallel_loop3A_294, 0 {pack_format = #tpu.pack_format<interleaved>} : vector<32xbf16> -> vector<16xf32>
        %parallel_loop3A_296 = tpu.unpack_subelements %parallel_loop3A_294, 1 {pack_format = #tpu.pack_format<interleaved>} : vector<32xbf16> -> vector<16xf32>
        %parallel_loop3A_297 = arith.mulf %parallel_loop3A_278, %parallel_loop3A_295 : vector<16xf32>
        %parallel_loop3A_298 = arith.addf %parallel_loop3A_255, %parallel_loop3A_297 : vector<16xf32>
        %parallel_loop3A_299 = arith.mulf %parallel_loop3A_278, %parallel_loop3A_296 : vector<16xf32>
        %parallel_loop3A_300 = arith.addf %parallel_loop3A_256, %parallel_loop3A_299 : vector<16xf32>
        %parallel_loop3A_301 = tpu.vector_load_idx %arg9[%parallel_loop3A_269] : memref<10000xi32, #tpu.memory_space<vmem>>[vector<16xi32>], vector<16xi32>,
        %parallel_loop3A_302 = tpu.vector_load_idx %arg9[%parallel_loop3A_272] : memref<10000xi32, #tpu.memory_space<vmem>>[vector<16xi32>], vector<16xi32>,
        %parallel_loop3A_303 = vector.bitcast %parallel_loop3A_301 : vector<16xi32> to vector<32xbf16>
        %parallel_loop3A_304 = vector.bitcast %parallel_loop3A_302 : vector<16xi32> to vector<32xbf16>
        %parallel_loop3A_305 = arith.mulf %parallel_loop3A_303, %parallel_loop3A_304 : vector<32xbf16>
        %parallel_loop3A_306 = tpu.unpack_subelements %parallel_loop3A_305, 0 {pack_format = #tpu.pack_format<interleaved>} : vector<32xbf16> -> vector<16xf32>
        %parallel_loop3A_307 = tpu.unpack_subelements %parallel_loop3A_305, 1 {pack_format = #tpu.pack_format<interleaved>} : vector<32xbf16> -> vector<16xf32>
        %parallel_loop3A_308 = arith.mulf %parallel_loop3A_278, %parallel_loop3A_306 : vector<16xf32>
        %parallel_loop3A_309 = arith.addf %parallel_loop3A_257, %parallel_loop3A_308 : vector<16xf32>
        %parallel_loop3A_310 = arith.mulf %parallel_loop3A_278, %parallel_loop3A_307 : vector<16xf32>
        %parallel_loop3A_311 = arith.addf %parallel_loop3A_258, %parallel_loop3A_310 : vector<16xf32>
        %parallel_loop3A_312 = tpu.vector_load_idx %arg10[%parallel_loop3A_269] : memref<10000xi32, #tpu.memory_space<vmem>>[vector<16xi32>], vector<16xi32>,
        %parallel_loop3A_313 = tpu.vector_load_idx %arg10[%parallel_loop3A_272] : memref<10000xi32, #tpu.memory_space<vmem>>[vector<16xi32>], vector<16xi32>,
        %parallel_loop3A_314 = vector.bitcast %parallel_loop3A_312 : vector<16xi32> to vector<32xbf16>
        %parallel_loop3A_315 = vector.bitcast %parallel_loop3A_313 : vector<16xi32> to vector<32xbf16>
        %parallel_loop3A_316 = arith.mulf %parallel_loop3A_314, %parallel_loop3A_315 : vector<32xbf16>
        %parallel_loop3A_317 = tpu.unpack_subelements %parallel_loop3A_316, 0 {pack_format = #tpu.pack_format<interleaved>} : vector<32xbf16> -> vector<16xf32>
        %parallel_loop3A_318 = tpu.unpack_subelements %parallel_loop3A_316, 1 {pack_format = #tpu.pack_format<interleaved>} : vector<32xbf16> -> vector<16xf32>
        %parallel_loop3A_319 = arith.mulf %parallel_loop3A_278, %parallel_loop3A_317 : vector<16xf32>
        %parallel_loop3A_320 = arith.addf %parallel_loop3A_259, %parallel_loop3A_319 : vector<16xf32>
        %parallel_loop3A_321 = arith.mulf %parallel_loop3A_278, %parallel_loop3A_318 : vector<16xf32>
        %parallel_loop3A_322 = arith.addf %parallel_loop3A_260, %parallel_loop3A_321 : vector<16xf32>
        scf.yield %parallel_loop3A_287, %parallel_loop3A_289, %parallel_loop3A_298, %parallel_loop3A_300, %parallel_loop3A_309, %parallel_loop3A_311, %parallel_loop3A_320, %parallel_loop3A_322 : vector<16xf32>, vector<16xf32>, vector<16xf32>, vector<16xf32>, vector<16xf32>, vector<16xf32>, vector<16xf32>, vector<16xf32>
      } {sc.loop_unroll_factor = 4 : i64, sc.parallel_access}
      %add3A_211 = arith.constant 2 : i32
      %add3A_212 = arith.addi %add3A_184, %add3A_211 : i32
      %lt3A = arith.constant 50 : i32
      %lt3A_213 = arith.cmpi slt, %add3A_212, %lt3A : i32
      %convert_element_type3A = arith.extui %lt3A_213 : i1 to i32
      %cond3A = arith.constant 0 : i32
      %cond3A_214 = arith.cmpi ne, %convert_element_type3A, %cond3A : i32
      scf.if %cond3A_214 {
        %add3A_252 = arith.constant 2 : i32
        %add3A_253 = arith.addi %add3A_184, %add3A_252 : i32
        %mul3A_254 = arith.constant 3200 : i32
        %mul3A_255 = arith.muli %add3A_253, %mul3A_254 : i32
        %dma_start3A_256 = arith.constant 0 : i32
        %dma_start3A_257 = arith.constant 0 : i32
        %dma_start3A_258 = tpu.memref_slice %arg14[%dma_start3A_256, %dma_start3A_257] : memref<2x3200xi32, #tpu.memory_space<vmem>> -> memref<1x3200xi32, #tpu.memory_space<vmem>>
        %dma_start3A_259 = tpu.memref_squeeze %dma_start3A_258 : memref<1x3200xi32, #tpu.memory_space<vmem>> -> memref<3200xi32, #tpu.memory_space<vmem>>
        %dma_start3A_260 = tpu.memref_slice %arg3[%mul3A_255] : memref<160000xi32, #tpu.memory_space<hbm>> -> memref<3200xi32, #tpu.memory_space<hbm>>
        %dma_start3A_261 = arith.constant 0 : i32
        %dma_start3A_262 = tpu.memref_slice %arg14[%dma_start3A_256, %dma_start3A_261] : memref<2x3200xi32, #tpu.memory_space<vmem>> -> memref<1x3200xi32, #tpu.memory_space<vmem>>
        %dma_start3A_263 = tpu.memref_squeeze %dma_start3A_262 : memref<1x3200xi32, #tpu.memory_space<vmem>> -> memref<3200xi32, #tpu.memory_space<vmem>>
        %dma_start3A_264 = tpu.memref_slice %arg3[%mul3A_255] : memref<160000xi32, #tpu.memory_space<hbm>> -> memref<3200xi32, #tpu.memory_space<hbm>>
        tpu.enqueue_dma source(%dma_start3A_264 : memref<3200xi32, #tpu.memory_space<hbm>>) target(%dma_start3A_263 : memref<3200xi32, #tpu.memory_space<vmem>>) target_semaphore(%arg17 : memref<!tpu.dma_semaphore, #tpu.memory_space<semaphore_mem>>)
        %dma_start3A_265 = arith.constant 0 : i32
        %dma_start3A_266 = arith.constant 0 : i32
        %dma_start3A_267 = tpu.memref_slice %arg15[%dma_start3A_265, %dma_start3A_266] : memref<2x3200xf32, #tpu.memory_space<vmem>> -> memref<1x3200xf32, #tpu.memory_space<vmem>>
        %dma_start3A_268 = tpu.memref_squeeze %dma_start3A_267 : memref<1x3200xf32, #tpu.memory_space<vmem>> -> memref<3200xf32, #tpu.memory_space<vmem>>
        %dma_start3A_269 = tpu.memref_slice %arg5[%mul3A_255] : memref<160000xf32, #tpu.memory_space<hbm>> -> memref<3200xf32, #tpu.memory_space<hbm>>
        %dma_start3A_270 = arith.constant 0 : i32
        %dma_start3A_271 = tpu.memref_slice %arg15[%dma_start3A_265, %dma_start3A_270] : memref<2x3200xf32, #tpu.memory_space<vmem>> -> memref<1x3200xf32, #tpu.memory_space<vmem>>
        %dma_start3A_272 = tpu.memref_squeeze %dma_start3A_271 : memref<1x3200xf32, #tpu.memory_space<vmem>> -> memref<3200xf32, #tpu.memory_space<vmem>>
        %dma_start3A_273 = tpu.memref_slice %arg5[%mul3A_255] : memref<160000xf32, #tpu.memory_space<hbm>> -> memref<3200xf32, #tpu.memory_space<hbm>>
        tpu.enqueue_dma source(%dma_start3A_273 : memref<3200xf32, #tpu.memory_space<hbm>>) target(%dma_start3A_272 : memref<3200xf32, #tpu.memory_space<vmem>>) target_semaphore(%arg17 : memref<!tpu.dma_semaphore, #tpu.memory_space<semaphore_mem>>)
      } else {
      }
      %mul3A_215 = arith.constant 2 : i32
      %mul3A_216 = arith.muli %scan3A_172, %mul3A_215 : i32
      %add3A_217 = arith.constant 1 : i32
      %add3A_218 = arith.addi %mul3A_216, %add3A_217 : i32
      %dma_wait3A_219 = arith.constant 1 : i32
      %dma_wait3A_220 = arith.constant 0 : i32
      %dma_wait3A_221 = tpu.memref_slice %arg14[%dma_wait3A_219, %dma_wait3A_220] : memref<2x3200xi32, #tpu.memory_space<vmem>> -> memref<1x3200xi32, #tpu.memory_space<vmem>>
      %dma_wait3A_222 = tpu.memref_squeeze %dma_wait3A_221 : memref<1x3200xi32, #tpu.memory_space<vmem>> -> memref<3200xi32, #tpu.memory_space<vmem>>
      %dma_wait3A_223 = arith.constant 0 : i32
      %dma_wait3A_224 = tpu.memref_slice %arg3[%dma_wait3A_223] : memref<160000xi32, #tpu.memory_space<hbm>> -> memref<3200xi32, #tpu.memory_space<hbm>>
      %dma_wait3A_225 = arith.constant 0 : i32
      %dma_wait3A_226 = tpu.memref_slice %arg14[%dma_wait3A_219, %dma_wait3A_225] : memref<2x3200xi32, #tpu.memory_space<vmem>> -> memref<1x3200xi32, #tpu.memory_space<vmem>>
      %dma_wait3A_227 = tpu.memref_squeeze %dma_wait3A_226 : memref<1x3200xi32, #tpu.memory_space<vmem>> -> memref<3200xi32, #tpu.memory_space<vmem>>
      %dma_wait3A_228 = arith.constant 0 : i32
      %dma_wait3A_229 = tpu.memref_slice %arg3[%dma_wait3A_228] : memref<160000xi32, #tpu.memory_space<hbm>> -> memref<3200xi32, #tpu.memory_space<hbm>>
      tpu.wait_dma2 semaphore(%arg18 : memref<!tpu.dma_semaphore, #tpu.memory_space<semaphore_mem>>) src(%dma_wait3A_229 : memref<3200xi32, #tpu.memory_space<hbm>>) dst(%dma_wait3A_227 : memref<3200xi32, #tpu.memory_space<vmem>>)
      %dma_wait3A_230 = arith.constant 1 : i32
      %dma_wait3A_231 = arith.constant 0 : i32
      %dma_wait3A_232 = tpu.memref_slice %arg15[%dma_wait3A_230, %dma_wait3A_231] : memref<2x3200xf32, #tpu.memory_space<vmem>> -> memref<1x3200xf32, #tpu.memory_space<vmem>>
      %dma_wait3A_233 = tpu.memref_squeeze %dma_wait3A_232 : memref<1x3200xf32, #tpu.memory_space<vmem>> -> memref<3200xf32, #tpu.memory_space<vmem>>
      %dma_wait3A_234 = arith.constant 0 : i32
      %dma_wait3A_235 = tpu.memref_slice %arg5[%dma_wait3A_234] : memref<160000xf32, #tpu.memory_space<hbm>> -> memref<3200xf32, #tpu.memory_space<hbm>>
      %dma_wait3A_236 = arith.constant 0 : i32
      %dma_wait3A_237 = tpu.memref_slice %arg15[%dma_wait3A_230, %dma_wait3A_236] : memref<2x3200xf32, #tpu.memory_space<vmem>> -> memref<1x3200xf32, #tpu.memory_space<vmem>>
      %dma_wait3A_238 = tpu.memref_squeeze %dma_wait3A_237 : memref<1x3200xf32, #tpu.memory_space<vmem>> -> memref<3200xf32, #tpu.memory_space<vmem>>
      %dma_wait3A_239 = arith.constant 0 : i32
      %dma_wait3A_240 = tpu.memref_slice %arg5[%dma_wait3A_239] : memref<160000xf32, #tpu.memory_space<hbm>> -> memref<3200xf32, #tpu.memory_space<hbm>>
      tpu.wait_dma2 semaphore(%arg18 : memref<!tpu.dma_semaphore, #tpu.memory_space<semaphore_mem>>) src(%dma_wait3A_240 : memref<3200xf32, #tpu.memory_space<hbm>>) dst(%dma_wait3A_238 : memref<3200xf32, #tpu.memory_space<vmem>>)
      %parallel_loop3A_241 = arith.constant 0 : i32
      %parallel_loop3A_242 = arith.constant 200 : i32
      %parallel_loop3A_243 = arith.constant 1 : i32
      %parallel_loop3A_244:8 = scf.for %parallel_loop3A_252 = %parallel_loop3A_241 to %parallel_loop3A_242 step %parallel_loop3A_243 iter_args(%parallel_loop3A_253 = %parallel_loop3A_210#0, %parallel_loop3A_254 = %parallel_loop3A_210#1, %parallel_loop3A_255 = %parallel_loop3A_210#2, %parallel_loop3A_256 = %parallel_loop3A_210#3, %parallel_loop3A_257 = %parallel_loop3A_210#4, %parallel_loop3A_258 = %parallel_loop3A_210#5, %parallel_loop3A_259 = %parallel_loop3A_210#6, %parallel_loop3A_260 = %parallel_loop3A_210#7) -> (vector<16xf32>, vector<16xf32>, vector<16xf32>, vector<16xf32>, vector<16xf32>, vector<16xf32>, vector<16xf32>, vector<16xf32>)  : i32 {
        %parallel_loop3A_261 = arith.constant 16 : i32
        %parallel_loop3A_262 = arith.muli %parallel_loop3A_252, %parallel_loop3A_261 : i32
        %parallel_loop3A_263 = arith.constant 1 : i32
        %parallel_loop3A_264 = arith.index_cast %parallel_loop3A_263 : i32 to index
        %parallel_loop3A_265 = arith.index_cast %parallel_loop3A_262 : i32 to index
        %parallel_loop3A_266 = tpu.vector_load %arg14[%parallel_loop3A_264, %parallel_loop3A_265] {strides = array<i32>} : memref<2x3200xi32, #tpu.memory_space<vmem>>, vector<16xi32>,
        %parallel_loop3A_267 = arith.constant 65535 : i32
        %parallel_loop3A_268 = vector.broadcast %parallel_loop3A_267 : i32 to vector<16xi32>
        %parallel_loop3A_269 = arith.andi %parallel_loop3A_266, %parallel_loop3A_268 : vector<16xi32>
        %parallel_loop3A_270 = arith.constant 16 : i32
        %parallel_loop3A_271 = vector.broadcast %parallel_loop3A_270 : i32 to vector<16xi32>
        %parallel_loop3A_272 = arith.shrui %parallel_loop3A_266, %parallel_loop3A_271 : vector<16xi32>
        %parallel_loop3A_273 = arith.constant 16 : i32
        %parallel_loop3A_274 = arith.muli %parallel_loop3A_252, %parallel_loop3A_273 : i32
        %parallel_loop3A_275 = arith.constant 1 : i32
        %parallel_loop3A_276 = arith.index_cast %parallel_loop3A_275 : i32 to index
        %parallel_loop3A_277 = arith.index_cast %parallel_loop3A_274 : i32 to index
        %parallel_loop3A_278 = tpu.vector_load %arg15[%parallel_loop3A_276, %parallel_loop3A_277] {strides = array<i32>} : memref<2x3200xf32, #tpu.memory_space<vmem>>, vector<16xf32>,
        %parallel_loop3A_279 = tpu.vector_load_idx %arg7[%parallel_loop3A_269] : memref<10000xi32, #tpu.memory_space<vmem>>[vector<16xi32>], vector<16xi32>,
        %parallel_loop3A_280 = tpu.vector_load_idx %arg7[%parallel_loop3A_272] : memref<10000xi32, #tpu.memory_space<vmem>>[vector<16xi32>], vector<16xi32>,
        %parallel_loop3A_281 = vector.bitcast %parallel_loop3A_279 : vector<16xi32> to vector<32xbf16>
        %parallel_loop3A_282 = vector.bitcast %parallel_loop3A_280 : vector<16xi32> to vector<32xbf16>
        %parallel_loop3A_283 = arith.mulf %parallel_loop3A_281, %parallel_loop3A_282 : vector<32xbf16>
        %parallel_loop3A_284 = tpu.unpack_subelements %parallel_loop3A_283, 0 {pack_format = #tpu.pack_format<interleaved>} : vector<32xbf16> -> vector<16xf32>
        %parallel_loop3A_285 = tpu.unpack_subelements %parallel_loop3A_283, 1 {pack_format = #tpu.pack_format<interleaved>} : vector<32xbf16> -> vector<16xf32>
        %parallel_loop3A_286 = arith.mulf %parallel_loop3A_278, %parallel_loop3A_284 : vector<16xf32>
        %parallel_loop3A_287 = arith.addf %parallel_loop3A_253, %parallel_loop3A_286 : vector<16xf32>
        %parallel_loop3A_288 = arith.mulf %parallel_loop3A_278, %parallel_loop3A_285 : vector<16xf32>
        %parallel_loop3A_289 = arith.addf %parallel_loop3A_254, %parallel_loop3A_288 : vector<16xf32>
        %parallel_loop3A_290 = tpu.vector_load_idx %arg8[%parallel_loop3A_269] : memref<10000xi32, #tpu.memory_space<vmem>>[vector<16xi32>], vector<16xi32>,
        %parallel_loop3A_291 = tpu.vector_load_idx %arg8[%parallel_loop3A_272] : memref<10000xi32, #tpu.memory_space<vmem>>[vector<16xi32>], vector<16xi32>,
        %parallel_loop3A_292 = vector.bitcast %parallel_loop3A_290 : vector<16xi32> to vector<32xbf16>
        %parallel_loop3A_293 = vector.bitcast %parallel_loop3A_291 : vector<16xi32> to vector<32xbf16>
        %parallel_loop3A_294 = arith.mulf %parallel_loop3A_292, %parallel_loop3A_293 : vector<32xbf16>
        %parallel_loop3A_295 = tpu.unpack_subelements %parallel_loop3A_294, 0 {pack_format = #tpu.pack_format<interleaved>} : vector<32xbf16> -> vector<16xf32>
        %parallel_loop3A_296 = tpu.unpack_subelements %parallel_loop3A_294, 1 {pack_format = #tpu.pack_format<interleaved>} : vector<32xbf16> -> vector<16xf32>
        %parallel_loop3A_297 = arith.mulf %parallel_loop3A_278, %parallel_loop3A_295 : vector<16xf32>
        %parallel_loop3A_298 = arith.addf %parallel_loop3A_255, %parallel_loop3A_297 : vector<16xf32>
        %parallel_loop3A_299 = arith.mulf %parallel_loop3A_278, %parallel_loop3A_296 : vector<16xf32>
        %parallel_loop3A_300 = arith.addf %parallel_loop3A_256, %parallel_loop3A_299 : vector<16xf32>
        %parallel_loop3A_301 = tpu.vector_load_idx %arg9[%parallel_loop3A_269] : memref<10000xi32, #tpu.memory_space<vmem>>[vector<16xi32>], vector<16xi32>,
        %parallel_loop3A_302 = tpu.vector_load_idx %arg9[%parallel_loop3A_272] : memref<10000xi32, #tpu.memory_space<vmem>>[vector<16xi32>], vector<16xi32>,
        %parallel_loop3A_303 = vector.bitcast %parallel_loop3A_301 : vector<16xi32> to vector<32xbf16>
        %parallel_loop3A_304 = vector.bitcast %parallel_loop3A_302 : vector<16xi32> to vector<32xbf16>
        %parallel_loop3A_305 = arith.mulf %parallel_loop3A_303, %parallel_loop3A_304 : vector<32xbf16>
        %parallel_loop3A_306 = tpu.unpack_subelements %parallel_loop3A_305, 0 {pack_format = #tpu.pack_format<interleaved>} : vector<32xbf16> -> vector<16xf32>
        %parallel_loop3A_307 = tpu.unpack_subelements %parallel_loop3A_305, 1 {pack_format = #tpu.pack_format<interleaved>} : vector<32xbf16> -> vector<16xf32>
        %parallel_loop3A_308 = arith.mulf %parallel_loop3A_278, %parallel_loop3A_306 : vector<16xf32>
        %parallel_loop3A_309 = arith.addf %parallel_loop3A_257, %parallel_loop3A_308 : vector<16xf32>
        %parallel_loop3A_310 = arith.mulf %parallel_loop3A_278, %parallel_loop3A_307 : vector<16xf32>
        %parallel_loop3A_311 = arith.addf %parallel_loop3A_258, %parallel_loop3A_310 : vector<16xf32>
        %parallel_loop3A_312 = tpu.vector_load_idx %arg10[%parallel_loop3A_269] : memref<10000xi32, #tpu.memory_space<vmem>>[vector<16xi32>], vector<16xi32>,
        %parallel_loop3A_313 = tpu.vector_load_idx %arg10[%parallel_loop3A_272] : memref<10000xi32, #tpu.memory_space<vmem>>[vector<16xi32>], vector<16xi32>,
        %parallel_loop3A_314 = vector.bitcast %parallel_loop3A_312 : vector<16xi32> to vector<32xbf16>
        %parallel_loop3A_315 = vector.bitcast %parallel_loop3A_313 : vector<16xi32> to vector<32xbf16>
        %parallel_loop3A_316 = arith.mulf %parallel_loop3A_314, %parallel_loop3A_315 : vector<32xbf16>
        %parallel_loop3A_317 = tpu.unpack_subelements %parallel_loop3A_316, 0 {pack_format = #tpu.pack_format<interleaved>} : vector<32xbf16> -> vector<16xf32>
        %parallel_loop3A_318 = tpu.unpack_subelements %parallel_loop3A_316, 1 {pack_format = #tpu.pack_format<interleaved>} : vector<32xbf16> -> vector<16xf32>
        %parallel_loop3A_319 = arith.mulf %parallel_loop3A_278, %parallel_loop3A_317 : vector<16xf32>
        %parallel_loop3A_320 = arith.addf %parallel_loop3A_259, %parallel_loop3A_319 : vector<16xf32>
        %parallel_loop3A_321 = arith.mulf %parallel_loop3A_278, %parallel_loop3A_318 : vector<16xf32>
        %parallel_loop3A_322 = arith.addf %parallel_loop3A_260, %parallel_loop3A_321 : vector<16xf32>
        scf.yield %parallel_loop3A_287, %parallel_loop3A_289, %parallel_loop3A_298, %parallel_loop3A_300, %parallel_loop3A_309, %parallel_loop3A_311, %parallel_loop3A_320, %parallel_loop3A_322 : vector<16xf32>, vector<16xf32>, vector<16xf32>, vector<16xf32>, vector<16xf32>, vector<16xf32>, vector<16xf32>, vector<16xf32>
      } {sc.loop_unroll_factor = 4 : i64, sc.parallel_access}
      %add3A_245 = arith.constant 2 : i32
      %add3A_246 = arith.addi %add3A_218, %add3A_245 : i32
      %lt3A_247 = arith.constant 50 : i32
      %lt3A_248 = arith.cmpi slt, %add3A_246, %lt3A_247 : i32
      %convert_element_type3A_249 = arith.extui %lt3A_248 : i1 to i32
      %cond3A_250 = arith.constant 0 : i32
      %cond3A_251 = arith.cmpi ne, %convert_element_type3A_249, %cond3A_250 : i32
      scf.if %cond3A_251 {
        %add3A_252 = arith.constant 2 : i32
        %add3A_253 = arith.addi %add3A_218, %add3A_252 : i32
        %mul3A_254 = arith.constant 3200 : i32
        %mul3A_255 = arith.muli %add3A_253, %mul3A_254 : i32
        %dma_start3A_256 = arith.constant 1 : i32
        %dma_start3A_257 = arith.constant 0 : i32
        %dma_start3A_258 = tpu.memref_slice %arg14[%dma_start3A_256, %dma_start3A_257] : memref<2x3200xi32, #tpu.memory_space<vmem>> -> memref<1x3200xi32, #tpu.memory_space<vmem>>
        %dma_start3A_259 = tpu.memref_squeeze %dma_start3A_258 : memref<1x3200xi32, #tpu.memory_space<vmem>> -> memref<3200xi32, #tpu.memory_space<vmem>>
        %dma_start3A_260 = tpu.memref_slice %arg3[%mul3A_255] : memref<160000xi32, #tpu.memory_space<hbm>> -> memref<3200xi32, #tpu.memory_space<hbm>>
        %dma_start3A_261 = arith.constant 0 : i32
        %dma_start3A_262 = tpu.memref_slice %arg14[%dma_start3A_256, %dma_start3A_261] : memref<2x3200xi32, #tpu.memory_space<vmem>> -> memref<1x3200xi32, #tpu.memory_space<vmem>>
        %dma_start3A_263 = tpu.memref_squeeze %dma_start3A_262 : memref<1x3200xi32, #tpu.memory_space<vmem>> -> memref<3200xi32, #tpu.memory_space<vmem>>
        %dma_start3A_264 = tpu.memref_slice %arg3[%mul3A_255] : memref<160000xi32, #tpu.memory_space<hbm>> -> memref<3200xi32, #tpu.memory_space<hbm>>
        tpu.enqueue_dma source(%dma_start3A_264 : memref<3200xi32, #tpu.memory_space<hbm>>) target(%dma_start3A_263 : memref<3200xi32, #tpu.memory_space<vmem>>) target_semaphore(%arg18 : memref<!tpu.dma_semaphore, #tpu.memory_space<semaphore_mem>>)
        %dma_start3A_265 = arith.constant 1 : i32
        %dma_start3A_266 = arith.constant 0 : i32
        %dma_start3A_267 = tpu.memref_slice %arg15[%dma_start3A_265, %dma_start3A_266] : memref<2x3200xf32, #tpu.memory_space<vmem>> -> memref<1x3200xf32, #tpu.memory_space<vmem>>
        %dma_start3A_268 = tpu.memref_squeeze %dma_start3A_267 : memref<1x3200xf32, #tpu.memory_space<vmem>> -> memref<3200xf32, #tpu.memory_space<vmem>>
        %dma_start3A_269 = tpu.memref_slice %arg5[%mul3A_255] : memref<160000xf32, #tpu.memory_space<hbm>> -> memref<3200xf32, #tpu.memory_space<hbm>>
        %dma_start3A_270 = arith.constant 0 : i32
        %dma_start3A_271 = tpu.memref_slice %arg15[%dma_start3A_265, %dma_start3A_270] : memref<2x3200xf32, #tpu.memory_space<vmem>> -> memref<1x3200xf32, #tpu.memory_space<vmem>>
        %dma_start3A_272 = tpu.memref_squeeze %dma_start3A_271 : memref<1x3200xf32, #tpu.memory_space<vmem>> -> memref<3200xf32, #tpu.memory_space<vmem>>
        %dma_start3A_273 = tpu.memref_slice %arg5[%mul3A_255] : memref<160000xf32, #tpu.memory_space<hbm>> -> memref<3200xf32, #tpu.memory_space<hbm>>
        tpu.enqueue_dma source(%dma_start3A_273 : memref<3200xf32, #tpu.memory_space<hbm>>) target(%dma_start3A_272 : memref<3200xf32, #tpu.memory_space<vmem>>) target_semaphore(%arg18 : memref<!tpu.dma_semaphore, #tpu.memory_space<semaphore_mem>>)
      } else {
      }
      scf.yield %parallel_loop3A_244#0, %parallel_loop3A_244#1, %parallel_loop3A_244#2, %parallel_loop3A_244#3, %parallel_loop3A_244#4, %parallel_loop3A_244#5, %parallel_loop3A_244#6, %parallel_loop3A_244#7 : vector<16xf32>, vector<16xf32>, vector<16xf32>, vector<16xf32>, vector<16xf32>, vector<16xf32>, vector<16xf32>, vector<16xf32>
    }
    %scan3A_99 = arith.constant 25 : i32
    %iota3A = tpu.iota {dimensions = array<i32: 0>} : vector<16xi32>
    %broadcast_in_dim3A_100 = arith.constant 0.000000e+00 : f32
    %broadcast_in_dim3A_101 = vector.broadcast %broadcast_in_dim3A_100 : f32 to vector<16xf32>
    %eq3A = arith.constant 0 : i32
    %eq3A_102 = vector.broadcast %eq3A : i32 to vector<16xi32>
    %eq3A_103 = arith.cmpi eq, %iota3A, %eq3A_102 : vector<16xi32>
    %reduce_sum3A = arith.constant true
    %reduce_sum3A_104 = vector.broadcast %reduce_sum3A : i1 to vector<16xi1>
    %reduce_sum3A_105 = tpu.scan <sum>, %scan3A_98#0 masked %reduce_sum3A_104 : vector<16xf32>, vector<16xi1> -> vector<16xf32>
    %reduce_sum3A_106 = vector.extract %reduce_sum3A_105[15] : f32 from vector<16xf32>
    %broadcast_in_dim3A_107 = vector.broadcast %reduce_sum3A_106 : f32 to vector<16xf32>
    %select_n3A = arith.select %eq3A_103, %broadcast_in_dim3A_107, %broadcast_in_dim3A_101 : vector<16xi1>, vector<16xf32>
    %eq3A_108 = arith.constant 1 : i32
    %eq3A_109 = vector.broadcast %eq3A_108 : i32 to vector<16xi32>
    %eq3A_110 = arith.cmpi eq, %iota3A, %eq3A_109 : vector<16xi32>
    %reduce_sum3A_111 = arith.constant true
    %reduce_sum3A_112 = vector.broadcast %reduce_sum3A_111 : i1 to vector<16xi1>
    %reduce_sum3A_113 = tpu.scan <sum>, %scan3A_98#1 masked %reduce_sum3A_112 : vector<16xf32>, vector<16xi1> -> vector<16xf32>
    %reduce_sum3A_114 = vector.extract %reduce_sum3A_113[15] : f32 from vector<16xf32>
    %broadcast_in_dim3A_115 = vector.broadcast %reduce_sum3A_114 : f32 to vector<16xf32>
    %select_n3A_116 = arith.select %eq3A_110, %broadcast_in_dim3A_115, %select_n3A : vector<16xi1>, vector<16xf32>
    %eq3A_117 = arith.constant 2 : i32
    %eq3A_118 = vector.broadcast %eq3A_117 : i32 to vector<16xi32>
    %eq3A_119 = arith.cmpi eq, %iota3A, %eq3A_118 : vector<16xi32>
    %reduce_sum3A_120 = arith.constant true
    %reduce_sum3A_121 = vector.broadcast %reduce_sum3A_120 : i1 to vector<16xi1>
    %reduce_sum3A_122 = tpu.scan <sum>, %scan3A_98#2 masked %reduce_sum3A_121 : vector<16xf32>, vector<16xi1> -> vector<16xf32>
    %reduce_sum3A_123 = vector.extract %reduce_sum3A_122[15] : f32 from vector<16xf32>
    %broadcast_in_dim3A_124 = vector.broadcast %reduce_sum3A_123 : f32 to vector<16xf32>
    %select_n3A_125 = arith.select %eq3A_119, %broadcast_in_dim3A_124, %select_n3A_116 : vector<16xi1>, vector<16xf32>
    %eq3A_126 = arith.constant 3 : i32
    %eq3A_127 = vector.broadcast %eq3A_126 : i32 to vector<16xi32>
    %eq3A_128 = arith.cmpi eq, %iota3A, %eq3A_127 : vector<16xi32>
    %reduce_sum3A_129 = arith.constant true
    %reduce_sum3A_130 = vector.broadcast %reduce_sum3A_129 : i1 to vector<16xi1>
    %reduce_sum3A_131 = tpu.scan <sum>, %scan3A_98#3 masked %reduce_sum3A_130 : vector<16xf32>, vector<16xi1> -> vector<16xf32>
    %reduce_sum3A_132 = vector.extract %reduce_sum3A_131[15] : f32 from vector<16xf32>
    %broadcast_in_dim3A_133 = vector.broadcast %reduce_sum3A_132 : f32 to vector<16xf32>
    %select_n3A_134 = arith.select %eq3A_128, %broadcast_in_dim3A_133, %select_n3A_125 : vector<16xi1>, vector<16xf32>
    %eq3A_135 = arith.constant 4 : i32
    %eq3A_136 = vector.broadcast %eq3A_135 : i32 to vector<16xi32>
    %eq3A_137 = arith.cmpi eq, %iota3A, %eq3A_136 : vector<16xi32>
    %reduce_sum3A_138 = arith.constant true
    %reduce_sum3A_139 = vector.broadcast %reduce_sum3A_138 : i1 to vector<16xi1>
    %reduce_sum3A_140 = tpu.scan <sum>, %scan3A_98#4 masked %reduce_sum3A_139 : vector<16xf32>, vector<16xi1> -> vector<16xf32>
    %reduce_sum3A_141 = vector.extract %reduce_sum3A_140[15] : f32 from vector<16xf32>
    %broadcast_in_dim3A_142 = vector.broadcast %reduce_sum3A_141 : f32 to vector<16xf32>
    %select_n3A_143 = arith.select %eq3A_137, %broadcast_in_dim3A_142, %select_n3A_134 : vector<16xi1>, vector<16xf32>
    %eq3A_144 = arith.constant 5 : i32
    %eq3A_145 = vector.broadcast %eq3A_144 : i32 to vector<16xi32>
    %eq3A_146 = arith.cmpi eq, %iota3A, %eq3A_145 : vector<16xi32>
    %reduce_sum3A_147 = arith.constant true
    %reduce_sum3A_148 = vector.broadcast %reduce_sum3A_147 : i1 to vector<16xi1>
    %reduce_sum3A_149 = tpu.scan <sum>, %scan3A_98#5 masked %reduce_sum3A_148 : vector<16xf32>, vector<16xi1> -> vector<16xf32>
    %reduce_sum3A_150 = vector.extract %reduce_sum3A_149[15] : f32 from vector<16xf32>
    %broadcast_in_dim3A_151 = vector.broadcast %reduce_sum3A_150 : f32 to vector<16xf32>
    %select_n3A_152 = arith.select %eq3A_146, %broadcast_in_dim3A_151, %select_n3A_143 : vector<16xi1>, vector<16xf32>
    %eq3A_153 = arith.constant 6 : i32
    %eq3A_154 = vector.broadcast %eq3A_153 : i32 to vector<16xi32>
    %eq3A_155 = arith.cmpi eq, %iota3A, %eq3A_154 : vector<16xi32>
    %reduce_sum3A_156 = arith.constant true
    %reduce_sum3A_157 = vector.broadcast %reduce_sum3A_156 : i1 to vector<16xi1>
    %reduce_sum3A_158 = tpu.scan <sum>, %scan3A_98#6 masked %reduce_sum3A_157 : vector<16xf32>, vector<16xi1> -> vector<16xf32>
    %reduce_sum3A_159 = vector.extract %reduce_sum3A_158[15] : f32 from vector<16xf32>
    %broadcast_in_dim3A_160 = vector.broadcast %reduce_sum3A_159 : f32 to vector<16xf32>
    %select_n3A_161 = arith.select %eq3A_155, %broadcast_in_dim3A_160, %select_n3A_152 : vector<16xi1>, vector<16xf32>
    %eq3A_162 = arith.constant 7 : i32
    %eq3A_163 = vector.broadcast %eq3A_162 : i32 to vector<16xi32>
    %eq3A_164 = arith.cmpi eq, %iota3A, %eq3A_163 : vector<16xi32>
    %reduce_sum3A_165 = arith.constant true
    %reduce_sum3A_166 = vector.broadcast %reduce_sum3A_165 : i1 to vector<16xi1>
    %reduce_sum3A_167 = tpu.scan <sum>, %scan3A_98#7 masked %reduce_sum3A_166 : vector<16xf32>, vector<16xi1> -> vector<16xf32>
    %reduce_sum3A_168 = vector.extract %reduce_sum3A_167[15] : f32 from vector<16xf32>
    %broadcast_in_dim3A_169 = vector.broadcast %reduce_sum3A_168 : f32 to vector<16xf32>
    %select_n3A_170 = arith.select %eq3A_164, %broadcast_in_dim3A_169, %select_n3A_161 : vector<16xi1>, vector<16xf32>
    %swap3A = arith.constant 0 : index
    %swap3A_171 = tpu.vector_load %arg16[%swap3A] {strides = array<i32>} : memref<16xf32, #tpu.memory_space<vmem>>, vector<16xf32>,
    tpu.vector_store %arg16[%swap3A], %select_n3A_170 {strides = array<i32>} : memref<16xf32, #tpu.memory_space<vmem>>, vector<16xf32>,
    "tpu.region"() ({
      %run_scoped3A = tpu.sem_alloc : memref<!tpu.dma_semaphore, #tpu.memory_space<semaphore_mem>>
      %dma_start3A_172 = arith.constant 0 : i32
      %dma_start3A_173 = tpu.memref_slice %arg6[%add3A, %dma_start3A_172] : memref<32x16xf32, #tpu.memory_space<hbm>> -> memref<1x16xf32, #tpu.memory_space<hbm>>
      %dma_start3A_174 = tpu.memref_squeeze %dma_start3A_173 : memref<1x16xf32, #tpu.memory_space<hbm>> -> memref<16xf32, #tpu.memory_space<hbm>>
      %dma_start3A_175 = arith.constant 0 : i32
      %dma_start3A_176 = tpu.memref_slice %arg6[%add3A, %dma_start3A_175] : memref<32x16xf32, #tpu.memory_space<hbm>> -> memref<1x16xf32, #tpu.memory_space<hbm>>
      %dma_start3A_177 = tpu.memref_squeeze %dma_start3A_176 : memref<1x16xf32, #tpu.memory_space<hbm>> -> memref<16xf32, #tpu.memory_space<hbm>>
      tpu.enqueue_dma source(%arg16 : memref<16xf32, #tpu.memory_space<vmem>>) target(%dma_start3A_177 : memref<16xf32, #tpu.memory_space<hbm>>) target_semaphore(%run_scoped3A : memref<!tpu.dma_semaphore, #tpu.memory_space<semaphore_mem>>)
      %dma_wait3A_178 = arith.constant 0 : i32
      %dma_wait3A_179 = tpu.memref_slice %arg6[%add3A, %dma_wait3A_178] : memref<32x16xf32, #tpu.memory_space<hbm>> -> memref<1x16xf32, #tpu.memory_space<hbm>>
      %dma_wait3A_180 = tpu.memref_squeeze %dma_wait3A_179 : memref<1x16xf32, #tpu.memory_space<hbm>> -> memref<16xf32, #tpu.memory_space<hbm>>
      %dma_wait3A_181 = arith.constant 0 : i32
      %dma_wait3A_182 = tpu.memref_slice %arg6[%add3A, %dma_wait3A_181] : memref<32x16xf32, #tpu.memory_space<hbm>> -> memref<1x16xf32, #tpu.memory_space<hbm>>
      %dma_wait3A_183 = tpu.memref_squeeze %dma_wait3A_182 : memref<1x16xf32, #tpu.memory_space<hbm>> -> memref<16xf32, #tpu.memory_space<hbm>>
      tpu.wait_dma2 semaphore(%run_scoped3A : memref<!tpu.dma_semaphore, #tpu.memory_space<semaphore_mem>>) src(%arg16 : memref<16xf32, #tpu.memory_space<vmem>>) dst(%dma_wait3A_183 : memref<16xf32, #tpu.memory_space<hbm>>)
      tpu.yield
    }) : () -> ()
    return
  }
}

</mosaic_0001>

<sc_bundles>
// kernel: kernel.3.cloned.1.call-start
scs
__scs_entry_jumppad:
0x0: {  	(pc) =	sbr.rel $0x88, $3  }
0x1: {  	(tag) =	ssettag $0x0;
	lr =	simm.s32 $0x1  }
0x2: {  	[smem:$0x3F9C] =	sst lr;
	_ =	strace $0xD0000000  }
0x3: {  	_ = 	snop  }
0x4: {  	_ = 	snop  }
0x5: {  	_ = 	snop  }
0x6: {  	_ = 	snop  }
0x7: {  	_ = 	snop  }
__scs_overlays_trampoline_lowered:
0x8: {  	[smem:$0x3FAB] =	sst s0  }
0x9: {  	[smem:$0x3FAC] =	sst s1  }
0xa: {  	[smem:$0x3FAD] =	sst s2  }
0xb: {  	[smem:$0x3FAE] =	sst s3  }
0xc: {  	[smem:$0x3FAF] =	sst s4  }
0xd: {  	[smem:$0x3FB0] =	sst s5  }
0xe: {  	[smem:$0x3FB1] =	sst s6  }
0xf: {  	[smem:$0x3FB2] =	sst s7  }
0x10: {  	[smem:$0x3FB3] =	sst s8  }
0x11: {  	[smem:$0x3FB4] =	sst s9;
	s0 =	simm.s32 @!p0 $0x0  }
0x12: {  	s1 =	sld [smem:$0x3F9A];
	s0 =	simm.s32 @p0 $0x1  }
0x13: {  	[smem:$0x3FB5] =	sst s0;
	s0 =	simm.s32 @!p1 $0x0  }
0x14: {  	s2 =	sld [smem:$0x3F99];
	s0 =	simm.s32 @p1 $0x1  }
0x15: {  	[smem:$0x3FB6] =	sst s0;
	s0 =	simm.s32 @!p2 $0x0  }
0x16: {  	s3 =	sld [smem:$0x3FDB];
	s0 =	simm.s32 @p2 $0x1  }
0x17: {  	s4 =	simm.s32 $0x1BF5;
	[smem:$0x3FB8] =	sst s0  }
0x18: {  	s0 =	sld [smem:$0x3F9B];
	_ =	swait.ge [sflag:s4], $0x0  }
0x19: {  	s7 =	sld [smem:$0x3F9C]  }
0x1a: {  	s8 =	sadd.s32 $0xFFFFE003, lr  }
0x1b: {  	s9 =	sadd.s32 $0xFFFFFEF7, lr;
	s5 =	simm.s32 $0xFFFFFFFF;
	p2 =	slt.u32 s8, $0xFFFFF086  }
0x1c: {  	p1 =	slt.u32 s9, $0xF7A;
	s5 =	simm.s32 @!p2 $0x0  }
0x1d: {  	s5 =	simm.s32 @p1 $0x1;
	p0 =	seq.s32 s7, s2  }
0x1e: {  	s7 =	smul.u32 @!p0 $0xF7A, s2;
	p2 =	seq.s32 @!p0 s5, $0x0  }
0x1f: {  	s9 =	smul.u32 $0xF7A, s1;
	s8 =	simm.s32 @!p0 $0x1BF5;
	p2 =	por !p2, p0  }
0x20: {  	[sflag:s8] =	ssyncset.s32 @!p0 $0xFFFFF086;
	s6 =	sadd.s32 @!p0 s3, s7;
	s7 =	simm.s32 @!p0 $0x108  }
0x21: {  	s3 =	sadd.s32 s3, s9;
	s6 =	sadd.s32 @!p0 $0x88, s6;
	s7 =	simm.s32 @p2 $0x1082  }
0x22: {  	[simem:s7], [sflag:s8] =	dma.local @!p0 [hbm:s6], $0xF7A  }
0x23: {  	s9 =	sor.u32 $0xD0000000, s2;
	s6 =	simm.s32 $0x108;
	_ =	swait.ge @!p0 [sflag:s8], $0x0  }
0x24: {  	s3 =	sadd.s32 $0x88, s3;
	s6 =	simm.s32 @!p1 $0x1082;
	[sflag:s4] =	ssyncset.s32 $0xFFFFF086  }
0x25: {  	[simem:s6], [sflag:s4] =	dma.local [hbm:s3], $0xF7A  }
0x26: {  	[smem:$0x3F9C] =	sst s1;
	(tag) =	ssettag s2;
	_ =	strace s9  }
0x27: {  	s1 =	sld [smem:$0x3FAC]  }
0x28: {  	s2 =	sld [smem:$0x3FAD]  }
0x29: {  	s4 =	sld [smem:$0x3FAF]  }
0x2a: {  	p0 =	seq.s32 s5, $0x0;
	s5 =	sld [smem:$0x3FB0]  }
0x2b: {  	s6 =	sld [smem:$0x3FB1]  }
0x2c: {  	s7 =	sld [smem:$0x3FB2]  }
0x2d: {  	s3 =	simm.s32 $0x108;
	s8 =	sld [smem:$0x3FB3]  }
0x2e: {  	s3 =	simm.s32 @!p0 $0x1082;
	s9 =	sld [smem:$0x3FB4]  }
0x2f: {  	lr =	sadd.s32 s0, s3;
	s0 =	sld [smem:$0x3FAB]  }
0x30: {  	s3 =	sld [smem:$0x3FAE]  }
0x31: {  	[smem:$0x3FB7] =	sst s10  }
0x32: {  	s10 =	sld [smem:$0x3FB5];
	_ =	sdelay $0x3  }
0x33: {  	p0 =	seq.s32 s10, $0x1;
	s10 =	sld [smem:$0x3FB7];
	_ =	sdelay $0x3  }
0x34: {  	[smem:$0x3FB7] =	sst s10  }
0x35: {  	s10 =	sld [smem:$0x3FB6];
	_ =	sdelay $0x3  }
0x36: {  	p1 =	seq.s32 s10, $0x1;
	s10 =	sld [smem:$0x3FB7];
	_ =	sdelay $0x3  }
0x37: {  	[smem:$0x3FB7] =	sst s10  }
0x38: {  	s10 =	sld [smem:$0x3FB8]  }
0x39: {  	_ = 	snop;
	(pc) =	sbr.ind lr, $3  }
0x3a: {  	_ = 	snop  }
0x3b: {  	_ = 	snop  }
0x3c: {  	p2 =	seq.s32 s10, $0x1;
	s10 =	sld [smem:$0x3FB7]  }
0x3d: {  	_ =	shalt  }
0x3e: {  	_ =	shalt  }
0x3f: {  	_ =	shalt  }
0x40: {  	_ =	shalt  }
0x41: {  	_ =	shalt  }
0x42: {  	_ =	shalt  }
0x43: {  	_ =	shalt  }
0x44: {  	_ =	shalt  }
0x45: {  	_ =	shalt  }
0x46: {  	_ =	shalt  }
0x47: {  	_ =	shalt  }
0x48: {  	_ =	shalt  }
0x49: {  	_ =	shalt  }
0x4a: {  	_ =	shalt  }
0x4b: {  	_ =	shalt  }
0x4c: {  	_ =	shalt  }
0x4d: {  	_ =	shalt  }
0x4e: {  	_ =	shalt  }
0x4f: {  	_ =	shalt  }
0x50: {  	_ =	shalt  }
0x51: {  	_ =	shalt  }
0x52: {  	_ =	shalt  }
0x53: {  	_ =	shalt  }
0x54: {  	_ =	shalt  }
0x55: {  	_ =	shalt  }
0x56: {  	_ =	shalt  }
0x57: {  	_ =	shalt  }
0x58: {  	_ =	shalt  }
0x59: {  	_ =	shalt  }
0x5a: {  	_ =	shalt  }
0x5b: {  	_ =	shalt  }
0x5c: {  	_ =	shalt  }
0x5d: {  	_ =	shalt  }
0x5e: {  	_ =	shalt  }
0x5f: {  	_ =	shalt  }
0x60: {  	_ =	shalt  }
0x61: {  	_ =	shalt  }
0x62: {  	_ =	shalt  }
0x63: {  	_ =	shalt  }
0x64: {  	_ =	shalt  }
0x65: {  	_ =	shalt  }
0x66: {  	_ =	shalt  }
0x67: {  	_ =	shalt  }
0x68: {  	_ =	shalt  }
0x69: {  	_ =	shalt  }
0x6a: {  	_ =	shalt  }
0x6b: {  	_ =	shalt  }
0x6c: {  	_ =	shalt  }
0x6d: {  	_ =	shalt  }
0x6e: {  	_ =	shalt  }
0x6f: {  	_ =	shalt  }
0x70: {  	_ =	shalt  }
0x71: {  	_ =	shalt  }
0x72: {  	_ =	shalt  }
0x73: {  	_ =	shalt  }
0x74: {  	_ =	shalt  }
0x75: {  	_ =	shalt  }
0x76: {  	_ =	shalt  }
0x77: {  	_ =	shalt  }
0x78: {  	_ =	shalt  }
0x79: {  	_ =	shalt  }
0x7a: {  	_ =	shalt  }
0x7b: {  	_ =	shalt  }
0x7c: {  	_ =	shalt  }
0x7d: {  	_ =	shalt  }
0x7e: {  	_ =	shalt  }
0x7f: {  	_ =	shalt  }
0x80: {  	_ =	shalt  }
0x81: {  	_ =	shalt  }
0x82: {  	_ =	shalt  }
0x83: {  	_ =	shalt  }
0x84: {  	_ =	shalt  }
0x85: {  	_ =	shalt  }
0x86: {  	_ =	shalt  }
0x87: {  	_ =	shalt  }
.Lfunc_end0:
.L_simem_size_0:
called_computation_lowered:
.L_overlay_start_0:
0x88: {  	s2 =	sld [smem:$0x3FD9]  }
0x89: {  	s3 =	sld [smem:$0x3FFE];
	_ =	sdelay $0x1  }
0x8a: {  	s1 =	srdreg.scid  }
0x8b: {  	s0 =	sand.u32 $0x1, s1  }
0x8c: {  	s17 =	sshll.u32 s0, $0xA;
	s2 =	sadd.s32 s3, s2  }
0x8d: {  	s2 =	sadd.s32 s2, s17  }
0x8e: {  	[smem:$0x3FC3] =	sst s2  }
0x8f: {  	_ = 	snop  }
0x90: {  	s2 =	sld [smem:$0x3FC6]  }
0x91: {  	s18 =	sld [smem:$0x3FC5];
	(tm) =	ssettm $0x1  }
0x92: {  	s4 =	sld [smem:$0x3FFB];
	_ =	sdelay $0x3  }
0x93: {  	_ =	strace s4  }
0x94: {  	s4 =	sld [smem:$0x3FFC];
	_ =	sdelay $0x3  }
0x95: {  	_ =	strace s4  }
0x96: {  	s4 =	sld [smem:$0x3FFD];
	_ =	sdelay $0x3  }
0x97: {  	_ =	strace s4  }
0x98: {  	_ =	strace $0x8FFFFFFF  }
0x99: {  	s19 =	sld [smem:$0x3FDB];
	_ =	sdelay $0x1  }
0x9a: {  	s5 =	simm.s32 $_scs_section_size  }
0x9b: {  	s6 =	simm.s32 $_size__tile_overlayer_lowered;
	s7 =	simm.s32 $_tile_overlayer_lowered  }
0x9c: {  	s22 =	simm.s32 $0x1BFF;
	s21 =	sshll.u32 s7, $0x1;
	s4 =	sadd.s32 s5, s19  }
0x9d: {  	s8 =	simm.s32 $0x0;
	s20 =	sshll.u32 s6, $0x1;
	s6 =	sadd.s32 s21, s4  }
0x9e: {  	[timem:s8], [sflag:s22] =	dma.local [hbm:s6], s20  }
0x9f: {  	_ =	swait.ge [sflag:s22], s20  }
0xa0: {  	s5 =	ssub.s32 $0x0, s20;
	[sflag:s22] =	ssyncset.done $0x0  }
0xa1: {  	[sflag:s22] =	ssyncadd.s32 s5;
	_ =	sdelay $0x1  }
0xa2: {  	s23 =	simm.s32 $0x1B8B  }
0xa3: {  	_ =	swait.ge [sflag:s23], $0x1  }
0xa4: {  	[sflag:s23] =	ssyncset.done $0x0  }
0xa5: {  	s25 =	simm.s32 $0x1B8E;
	s24 =	sld [smem:$0x3FFE];
	[sflag:s23] =	ssyncadd.s32 $0xFFFFFFFF  }
0xa6: {  	s26 =	simm.s32 $execute0_lowered;
	[smem:$0x3FD2] =	sst s25  }
0xa7: {  	s6 =	sshll.u32 s26, $0x1;
	_ =	strace $0x80000046;
	[dreg:$0x1] =	wrdreg $0xFFFFFFFF  }
0xa8: {  	s28 =	simm.s32 $_size_execute0_lowered;
	s4 =	sadd.s32 s4, s6;
	[dreg:$0x0] =	wrdreg $0x0  }
0xa9: {  	s6 =	sshll.u32 s28, $0x1;
	[dreg:$0x2] =	wrdreg s4  }
0xaa: {  	[dreg:$0x3] =	wrdreg s6  }
0xab: {  	[dreg:$0x4] =	wrdreg $0xC0  }
0xac: {  	_ =	task [dreg:s8], $0x5FFFF  }
0xad: {  	[dreg:$0x1] =	wrdreg $0xFFFFFFFF  }
0xae: {  	[dreg:$0x0] =	wrdreg $0x60  }
0xaf: {  	[dreg:$0x2] =	wrdreg s24  }
0xb0: {  	[dreg:$0x3] =	wrdreg s2  }
0xb1: {  	[dreg:$0x4] =	wrdreg s18  }
0xb2: {  	[dreg:$0x5] =	wrdreg $0x9  }
0xb3: {  	_ =	task.clear_ibuf [dreg:s8], $0x6FFFF;
	_ =	strace $0x90000046  }
0xb4: {  	s29 =	simm.s32 $0x9;
	_ =	strace $0x80000048  }
0xb5: {  	_ =	swait.ge [sflag:s29], $0x1  }
0xb6: {  	[sflag:s29] =	ssyncadd.s32 $0xFFFFFFFF  }
0xb7: {  	_ =	strace $0x90000048  }
0xb8: {  	_ =	sfence  }
0xb9: {  	s30 =	sld [smem:$0x0];
	_ =	sdelay $0x2  }
0xba: {  	s31 =	sshll.u32 s1, $0xD;
	s1 =	sshrl.u32 s1, $0x2  }
0xbb: {  	s3 =	sand.u32 $0x4000, s31;
	s1 =	sadd.s32 s1, s30  }
0xbc: {  	s0 =	sor.u32 s3, s0;
	s1 =	sshll.u32 s1, $0x11  }
0xbd: {  	s0 =	sor.u32 s1, s0  }
0xbe: {  	s0 =	sadd.s32 $0x8F2B, s0  }
0xbf: {  	[sflag:s0] =	ssyncadd.remote.s32 $0x1  }
0xc0: {  	_ =	sfence.sel $0xFFFF  }
0xc1: {  	[dreg:$0x0] =	wrdreg $0xFFFFFFFF;
	(pc) =	sbr.abs _section_cstart, $3  }
0xc2: {  	[dreg:$0x1] =	wrdreg $0xFFFFFFFF  }
0xc3: {  	_ =	task.clear_ibuf [dreg:s8], $0x2FFFF;
	_ =	strace $0x9FFFFFFF  }
0xc4: {  	(tm) =	ssettm $0x7FFFFFFF  }
0xc5: {  	_ =	shalt  }
tec
execute0_lowered:
.L_overlay_start_1:
0x0: {  	(tag) =	ssettag $0x1  }
0x1: {  	s0 =	rddreg [dreg:$0x0];
	s1 =	srdreg.scid  }
0x2: {  	s2 =	stileid.u32;
	s3 =	rddreg [dreg:$0x2]  }
0x3: {  	s4 =	simm.s32 $0x0;
	s14 =	simm.s32 $0x9E00;
	s15 =	simm.s32 $0xEC80  }
0x4: {  	s17 =	simm.s32 $0x5;
	s18 =	simm.s32 $0x3;
	s19 =	simm.s32 $0x4  }
0x5: {  	s20 =	simm.s32 $0x1;
	s21 =	simm.s32 $0x2780;
	s22 =	simm.s32 $0x4F00  }
0x6: {  	s23 =	simm.s32 $0x7680;
	s24 =	simm.s32 $0x2;
	s25 =	simm.s32 $0x19480  }
0x7: {  	s26 =	simm.s32 $0x0;
	s1 =	sand.u32 $0x1, s1;
	s2 =	sshll.u32 s2, $0x1  }
0x8: {  	[smem:$0x7FF] =	sst s4;
	s8 =	sadd.s32 $0x4EB90, s0;
	s2 =	sor.u32 s1, s2  }
0x9: {  	s9 =	sadd.s32 $0x190, s3;
	_ =	strace $0x80000047;
	s5 =	smul.u32 $0x13880, s2  }
.Ltmp0:
0xa: {  	s1 =	ssub.s32 $0x2, s1;
	s2 =	sshll.u32 s2, $0x4;
	(pc) =	sbr.rel .LBB2_1-.Ltmp0, $4  }
0xb: {  	s6 =	sshrl.u32 s1, $0x1;
	s2 =	sadd.s32 s2, s0;
	s5 =	sshrl.u32 s5, $0x3  }
0xc: {  	vm0 =	vcmask $0x320;
	vm1 =	vcmask $0x720;
	s1 =	ssub.s32 s1, s6;
	s12 =	sadd.s32 $0x53A00, s2;
	s11 =	sadd.s32 s5, s0  }
0xd: {  	vm2 =	vcmask $0xB20;
	vm3 =	vcmask $0xF20;
	vm4 =	vcmask $0x1320;
	s13 =	smax.u32 s1, $0x1;
	s5 =	sadd.s32 $0x4EA00, s0;
	s6 =	sadd.s32 $0x800, s11  }
0xe: {  	vm5 =	vcmask $0x1720;
	vm6 =	vcmask $0x1B20;
	vm7 =	vmmov $0x1;
	s7 =	sadd.s32 $0x11C4, s11;
	s10 =	sadd.s32 $0x1B88, s11;
	s11 =	sadd.s32 $0x254C, s11  }
.LBB2_34:
0xf: {  	(xrf2) =	vadd.scan.msk.f32 $0xffff, v24  }
0x10: {  	(xrf2) =	vadd.scan.msk.f32 $0xffff, v14  }
0x11: {  	(xrf2) =	vadd.scan.msk.f32 $0xffff, v0  }
0x12: {  	(xrf2) =	vadd.scan.msk.f32 $0xffff, v1  }
0x13: {  	(xrf2) =	vadd.scan.msk.f32 $0xffff, v2  }
0x14: {  	(xrf2) =	vadd.scan.msk.f32 $0xffff, v7  }
0x15: {  	(xrf2) =	vadd.scan.msk.f32 $0xffff, v9  }
0x16: {  	(xrf2) =	vadd.scan.msk.f32 $0xffff, v5;
	_ =	sdelay $0x2  }
0x17: {  	v53, _, _ =	vpop (xrf2)  }
0x18: {  	v54, _, _ =	vpop (xrf2);
	v0 =	vbroadcast v53, $0xF  }
0x19: {  	v55, _, _ =	vpop (xrf2);
	v1 =	vbroadcast v54, $0xF  }
0x1a: {  	v3, _, _ =	vpop (xrf2);
	v0 =	vnsel vm7, $0x0, v0;
	v2 =	vbroadcast v55, $0xF  }
0x1b: {  	v4, _, _ =	vpop (xrf2);
	v0 =	vsel vm0, v0, v1;
	v56 =	vbroadcast v3, $0xF  }
0x1c: {  	v57, _, _ =	vpop (xrf2);
	v0 =	vsel vm1, v0, v2;
	v58 =	vbroadcast v4, $0xF  }
0x1d: {  	v59, _, _ =	vpop (xrf2);
	v0 =	vsel vm2, v0, v56;
	v60 =	vbroadcast v57, $0xF  }
0x1e: {  	v0 =	vsel vm3, v0, v58;
	v61 =	vbroadcast v59, $0xF;
	v62, _, _ =	vpop (xrf2)  }
0x1f: {  	v0 =	vsel vm4, v0, v60;
	v63 =	vbroadcast v62, $0xF  }
0x20: {  	s26 =	sadd.s32 $0x1, s26;
	v0 =	vsel vm5, v0, v61  }
0x21: {  	p0 =	sne.s32 s26, s13;
	v0 =	vsel vm6, v0, v63  }
.Ltmp1:
0x22: {  	[tilespmem:$0x19480] =	vst v0;
	(pc) =	sbr.rel @!p0 .LBB2_35-.Ltmp1, $4  }
0x23: {  	[hbm4b:s12+s4] =	stream.linear.scatter [tilespmem:s25], [sflag:$0x5], $0x80, $0x38;
	[tilespmem:$0x19500] =	vst v63  }
0x24: {  	_ =	swait.ge [sflag:s17], $0x80  }
0x25: {  	[sflag:s17] =	ssyncset.done $0x0  }
0x26: {  	[sflag:s17] =	ssyncadd.s32 $0xFFFFFF80  }
.LBB2_1:
0x27: {  	[tilespmem:s14], [sflag:$0x3] =	stream.linear.gather [hbm4b:s6+s4], $0x4E20, $0x38;
	[tilespmem:$0x19500] =	vst v63  }
0x28: {  	s0 =	simm.s32 $0x16280;
	s1 =	simm.s32 $0x0  }
0x29: {  	[tilespmem:s15], [sflag:$0x4] =	stream.linear.gather [hbm4b:s7+s4], $0x4E20, $0x38;
	[tilespmem:$0x19500] =	vst v63  }
.LBB2_2:
0x2a: {  	p0 =	sne.s32 s1, $0x180  }
.Ltmp2:
0x2b: {  	_ = 	snop;
	(pc) =	sbr.rel @p0 .LBB2_2-.Ltmp2, $4  }
0x2c: {  	_ = 	snop  }
0x2d: {  	s2 =	sadd.s32 s1, s5;
	s16 =	simm.s32 $0x0  }
0x2e: {  	[tilespmem:s0], [sflag:$0x1] =	stream.linear.gather [hbm4b:s2+s16], $0x80, $0x38;
	[tilespmem:$0x19500] =	vst v63  }
0x2f: {  	s1 =	sadd.s32 $0x10, s1;
	s0 =	sadd.s32 $0x100, s0  }
0x30: {  	s0 =	simm.s32 $0x17B80  }
0x31: {  	s1 =	simm.s32 $0x10;
	s2 =	sadd.s32 $0x0, s3;
	s28 =	simm.s32 $0x17C80  }
.LBB2_4:
0x32: {  	[tilespmem:s0], [sflag:$0x1] =	stream.linear.gather [hbm4b:s2+s4], $0x80, $0x38;
	[tilespmem:$0x19500] =	vst v63  }
0x33: {  	s2 =	smov.u32 s1;
	s0 =	smov.u32 s28;
	p0 =	sne.s32 s1, $0x180  }
.Ltmp3:
0x34: {  	s1 =	sadd.s32 $0x10, s1;
	(pc) =	sbr.rel @p0 .LBB2_4-.Ltmp3, $2  }
0x35: {  	_ =	sdelay $0x2  }
0x36: {  	s28 =	sadd.s32 $0x100, s28;
	s2 =	sadd.s32 s2, s3  }
0x37: {  	[tilespmem:s0], [sflag:$0x1] =	stream.linear.gather [hbm4b:s2+s4], $0x80, $0x38;
	[tilespmem:$0x19500] =	vst v63  }
0x38: {  	s0 =	simm.s32 $0x16300  }
0x39: {  	s1 =	simm.s32 $0x10;
	s2 =	sadd.s32 $0x0, s8;
	s28 =	simm.s32 $0x16400  }
.LBB2_6:
0x3a: {  	[tilespmem:s0], [sflag:$0x2] =	stream.linear.gather [hbm4b:s2+s4], $0x80, $0x38;
	[tilespmem:$0x19500] =	vst v63  }
0x3b: {  	s2 =	smov.u32 s1;
	s0 =	smov.u32 s28;
	p0 =	sne.s32 s1, $0x180  }
.Ltmp4:
0x3c: {  	s1 =	sadd.s32 $0x10, s1;
	(pc) =	sbr.rel @p0 .LBB2_6-.Ltmp4, $2  }
0x3d: {  	_ =	sdelay $0x2  }
0x3e: {  	s28 =	sadd.s32 $0x100, s28;
	s2 =	sadd.s32 s2, s8  }
0x3f: {  	[tilespmem:s0], [sflag:$0x2] =	stream.linear.gather [hbm4b:s2+s4], $0x80, $0x38;
	[tilespmem:$0x19500] =	vst v63  }
0x40: {  	s0 =	simm.s32 $0x17C00  }
0x41: {  	s1 =	simm.s32 $0x10;
	s2 =	sadd.s32 $0x0, s9;
	s28 =	simm.s32 $0x17D00  }
.LBB2_8:
0x42: {  	[tilespmem:s0], [sflag:$0x2] =	stream.linear.gather [hbm4b:s2+s4], $0x80, $0x38;
	[tilespmem:$0x19500] =	vst v63  }
0x43: {  	s2 =	smov.u32 s1;
	s0 =	smov.u32 s28;
	p0 =	sne.s32 s1, $0x180  }
.Ltmp5:
0x44: {  	s1 =	sadd.s32 $0x10, s1;
	(pc) =	sbr.rel @p0 .LBB2_8-.Ltmp5, $2  }
0x45: {  	_ =	sdelay $0x2  }
0x46: {  	s28 =	sadd.s32 $0x100, s28;
	s2 =	sadd.s32 s2, s9  }
0x47: {  	[tilespmem:s0], [sflag:$0x2] =	stream.linear.gather [hbm4b:s2+s4], $0x80, $0x38;
	[tilespmem:$0x19500] =	vst v63  }
0x48: {  	s31 =	rddreg [dreg:$0x1];
	s1 =	simm.s32 $0x13B00  }
0x49: {  	[tilespmem:s1], [sflag:$0x5] =	stream.linear.gather [hbm4b:s31+s4], $0x2780, $0x38;
	[tilespmem:$0x19500] =	vst v63  }
0x4a: {  	_ =	swait.ge [sflag:s17], $0x2780  }
0x4b: {  	[sflag:s17] =	ssyncset.done $0x0  }
0x4c: {  	[sflag:s17] =	ssyncadd.s32 $0xFFFFD880  }
0x4d: {  	_ =	swait.ge [sflag:s18], $0x4E20  }
0x4e: {  	[sflag:s18] =	ssyncset.done $0x0  }
0x4f: {  	s2 =	simm.s32 $0xC520;
	[sflag:s18] =	ssyncadd.s32 $0xFFFFB1E0  }
0x50: {  	v0 =	vld [tilespmem:s2+$0xFFFFD8E0]  }
0x51: {  	v1 =	vld [tilespmem:s2+$0xFFFFFFF0]  }
0x52: {  	v2 =	vld [tilespmem:s2+$0x0]  }
0x53: {  	v12 =	vld [tilespmem:s2+$0xFFFFD8F0]  }
0x54: {  	s16 =	simm.s32 $0xC540  }
0x55: {  	v4 =	vld [tilespmem:s16+$0x0]  }
0x56: {  	v8 =	vld [tilespmem:s16+$0xFFFFD8E0]  }
0x57: {  	s30 =	simm.s32 $0x10;
	v9 =	vld [tilespmem:s16+$0xFFFFFFF0];
	v3 =	vpack.i.f32.bf16 v1, v0  }
0x58: {  	s31 =	simm.s32 $0x13B10;
	v11 =	vld [tilespmem:s16+$0xFFFFD8F0];
	[tilespmem:s30+$0xFFFFFFF0] =	vst v3;
	v3 =	vpack.i.f32.bf16 v2, v12  }
0x59: {  	v7 =	vld [tilespmem:s31+$0xFFFFFFF0];
	[tilespmem:s30+$0x0] =	vst v3  }
0x5a: {  	s16 =	simm.s32 $0xC560;
	v15 =	vld [tilespmem:s31+$0x0]  }
0x5b: {  	v6 =	vld [tilespmem:s16+$0xFFFFD8E0]  }
0x5c: {  	s1 =	simm.s32 $0x30;
	v5 =	vld [tilespmem:s16+$0xFFFFFFF0];
	v10 =	vpack.i.f32.bf16 v9, v8  }
0x5d: {  	s0 =	simm.s32 $0x13B30;
	[tilespmem:s1+$0xFFFFFFF0] =	vst v10;
	v3 =	vld [tilespmem:s16+$0x0]  }
0x5e: {  	v14 =	vpack.i.f32.bf16 v4, v11;
	v10 =	vld [tilespmem:s0+$0xFFFFFFF0];
	v0 =	vmul.f32 v7, v0;
	v1 =	vmul.f32 v7, v1  }
0x5f: {  	v13 =	vimm.f32 $0.0e+00;
	[tilespmem:s1+$0x0] =	vst v14;
	v7 =	vld [tilespmem:s16+$0xFFFFD8F0];
	v16 =	vmul.f32 v15, v12  }
0x60: {  	s28 =	simm.s32 $0x4;
	s29 =	simm.s32 $0xC580;
	v12 =	vld [tilespmem:s0+$0x0];
	v15 =	vmul.f32 v15, v2;
	v14 =	vadd.f32 v0, v13;
	v13 =	vadd.f32 v1, v13  }
.LBB2_10:
0x61: {  	s28 =	sadd.s32 $0x2, s28  }
0x62: {  	v0 =	vld [tilespmem:s29+$0x0];
	v1 =	vadd.f32 v16, v14;
	v2 =	vmov v6;
	p0 =	slt.u32 s28, $0x26E  }
.Ltmp6:
0x63: {  	s1 =	sadd.s32 $0x20, s1;
	v6 =	vld [tilespmem:s29+$0xFFFFD8E0];
	v14 =	vpack.i.f32.bf16 v5, v2;
	v13 =	vadd.f32 v15, v13;
	(pc) =	sbr.rel @p0 .LBB2_10-.Ltmp6, $4  }
0x64: {  	s0 =	sadd.s32 $0x20, s0;
	[tilespmem:s1+$0xFFFFFFF0] =	vst v14;
	v14 =	vmul.f32 v10, v8;
	v15 =	vmul.f32 v10, v9;
	v8 =	vmovc v2;
	v9 =	vmov v5;
	v5 =	vld [tilespmem:s29+$0xFFFFFFF0]  }
0x65: {  	v10 =	vld [tilespmem:s0+$0xFFFFFFF0];
	v2 =	vpack.i.f32.bf16 v3, v7;
	v17 =	vmov v7  }
0x66: {  	v7 =	vld [tilespmem:s29+$0xFFFFD8F0];
	[tilespmem:s1+$0x0] =	vst v2;
	v14 =	vadd.f32 v14, v1;
	v13 =	vadd.f32 v15, v13;
	v16 =	vmul.f32 v12, v11  }
0x67: {  	s29 =	sadd.s32 $0x20, s29;
	v15 =	vmul.f32 v12, v4;
	v4 =	vmovc v3;
	v11 =	vmov v17;
	v12 =	vld [tilespmem:s0+$0x0];
	v3 =	vmov v0  }
0x68: {  	_ =	sdelay $0x1  }
0x69: {  	s1 =	sadd.s32 $0x20, s1;
	v0 =	vpack.i.f32.bf16 v5, v6  }
0x6a: {  	[tilespmem:s1+$0xFFFFFFF0] =	vst v0;
	v0 =	vpack.i.f32.bf16 v3, v7  }
0x6b: {  	[tilespmem:s1+$0x0] =	vst v0  }
0x6c: {  	v0 =	vld [tilespmem:$0xC500]  }
0x6d: {  	v1 =	vld [tilespmem:$0xEC10];
	_ =	sdelay $0x3  }
0x6e: {  	s0 =	sadd.s32 $0x20, s0  }
0x6f: {  	v17 =	vld [tilespmem:s0+$0xFFFFFFF0];
	v2 =	vpack.i.f32.bf16 v1, v0  }
0x70: {  	v18 =	vld [tilespmem:s0+$0x0];
	[tilespmem:$0x2700] =	vst v2  }
0x71: {  	v2 =	vld [tilespmem:$0x16200];
	[tilespmem:s14], [sflag:$0x3] =	stream.linear.gather [hbm4b:s10+s4], $0x4E20, $0x38  }
0x72: {  	_ =	swait.ge [sflag:s19], $0x4E20  }
0x73: {  	[sflag:s19] =	ssyncset.done $0x0  }
0x74: {  	s16 =	simm.s32 $0x113A0;
	[sflag:s19] =	ssyncadd.s32 $0xFFFFB1E0  }
0x75: {  	v19 =	vld [tilespmem:s16+$0xFFFFD8E0]  }
0x76: {  	v20 =	vld [tilespmem:s16+$0xFFFFFFF0]  }
0x77: {  	v22 =	vld [tilespmem:s16+$0x0]  }
0x78: {  	v21 =	vld [tilespmem:s16+$0xFFFFD8F0]  }
0x79: {  	s30 =	simm.s32 $0x113C0;
	v14 =	vadd.f32 v16, v14;
	v16 =	vmul.f32 v10, v8  }
0x7a: {  	v13 =	vadd.f32 v15, v13;
	v9 =	vmul.f32 v10, v9;
	v8 =	vld [tilespmem:s30+$0x0]  }
0x7b: {  	v14 =	vadd.f32 v16, v14;
	v16 =	vmul.f32 v12, v11;
	v10 =	vld [tilespmem:s30+$0xFFFFD8E0]  }
0x7c: {  	s31 =	simm.s32 $0x2790;
	v9 =	vadd.f32 v9, v13;
	v4 =	vmul.f32 v12, v4;
	v11 =	vld [tilespmem:s30+$0xFFFFFFF0];
	v15 =	vpack.i.f32.bf16 v20, v19  }
0x7d: {  	s2 =	simm.s32 $0x13B10;
	v14 =	vadd.f32 v16, v14;
	v6 =	vmul.f32 v17, v6;
	v16 =	vld [tilespmem:s30+$0xFFFFD8F0];
	v12 =	vpack.i.f32.bf16 v22, v21;
	[tilespmem:s31+$0xFFFFFFF0] =	vst v15  }
0x7e: {  	v4 =	vadd.f32 v4, v9;
	v5 =	vmul.f32 v17, v5;
	[tilespmem:s31+$0x0] =	vst v12;
	v13 =	vld [tilespmem:s2+$0xFFFFFFF0]  }
0x7f: {  	v6 =	vadd.f32 v6, v14;
	s16 =	simm.s32 $0x113E0;
	v23 =	vld [tilespmem:s2+$0x0]  }
0x80: {  	v7 =	vmul.f32 v18, v7;
	v4 =	vadd.f32 v5, v4;
	v17 =	vmul.f32 v18, v3;
	v9 =	vld [tilespmem:s16+$0x0]  }
0x81: {  	v14 =	vld [tilespmem:s16+$0xFFFFFFF0]  }
0x82: {  	s0 =	simm.s32 $0x27B0;
	v3 =	vadd.f32 v7, v6;
	v4 =	vadd.f32 v17, v4;
	v5 =	vpack.i.f32.bf16 v11, v10;
	v12 =	vld [tilespmem:s16+$0xFFFFD8E0]  }
0x83: {  	s1 =	simm.s32 $0x13B30;
	v17 =	vld [tilespmem:s16+$0xFFFFD8F0];
	[tilespmem:s0+$0xFFFFFFF0] =	vst v5;
	v5 =	vmul.f32 v13, v19;
	v7 =	vmul.f32 v13, v20;
	v13 =	vpack.i.f32.bf16 v8, v16  }
0x84: {  	v6 =	vimm.f32 $0.0e+00;
	v15 =	vld [tilespmem:s1+$0xFFFFFFF0];
	v21 =	vmul.f32 v23, v21;
	[tilespmem:s0+$0x0] =	vst v13  }
0x85: {  	s28 =	simm.s32 $0x4;
	s29 =	simm.s32 $0x11400;
	v20 =	vmul.f32 v23, v22;
	v13 =	vadd.f32 v5, v6;
	v19 =	vadd.f32 v7, v6;
	v18 =	vld [tilespmem:s1+$0x0]  }
.LBB2_12:
0x86: {  	s28 =	sadd.s32 $0x2, s28  }
0x87: {  	v5 =	vld [tilespmem:s29+$0x0];
	v6 =	vadd.f32 v21, v13;
	v7 =	vmov v12;
	p0 =	slt.u32 s28, $0x26E  }
.Ltmp7:
0x88: {  	s0 =	sadd.s32 $0x20, s0;
	v12 =	vld [tilespmem:s29+$0xFFFFD8E0];
	v13 =	vpack.i.f32.bf16 v14, v7;
	v19 =	vadd.f32 v20, v19;
	(pc) =	sbr.rel @p0 .LBB2_12-.Ltmp7, $4  }
0x89: {  	s1 =	sadd.s32 $0x20, s1;
	[tilespmem:s0+$0xFFFFFFF0] =	vst v13;
	v13 =	vmul.f32 v15, v10;
	v20 =	vmul.f32 v15, v11;
	v10 =	vmovc v7;
	v11 =	vmov v14;
	v14 =	vld [tilespmem:s29+$0xFFFFFFF0]  }
0x8a: {  	v15 =	vld [tilespmem:s1+$0xFFFFFFF0];
	v7 =	vpack.i.f32.bf16 v9, v17;
	v22 =	vmov v17  }
0x8b: {  	v17 =	vld [tilespmem:s29+$0xFFFFD8F0];
	[tilespmem:s0+$0x0] =	vst v7;
	v13 =	vadd.f32 v13, v6;
	v19 =	vadd.f32 v20, v19;
	v21 =	vmul.f32 v18, v16  }
0x8c: {  	s29 =	sadd.s32 $0x20, s29;
	v20 =	vmul.f32 v18, v8;
	v8 =	vmovc v9;
	v16 =	vmov v22;
	v18 =	vld [tilespmem:s1+$0x0];
	v9 =	vmov v5  }
0x8d: {  	_ =	sdelay $0x1  }
0x8e: {  	s0 =	sadd.s32 $0x20, s0;
	v5 =	vpack.i.f32.bf16 v14, v12  }
0x8f: {  	[tilespmem:s0+$0xFFFFFFF0] =	vst v5;
	v5 =	vpack.i.f32.bf16 v9, v17  }
0x90: {  	[tilespmem:s0+$0x0] =	vst v5  }
0x91: {  	v6 =	vld [tilespmem:$0x11380]  }
0x92: {  	v5 =	vld [tilespmem:$0x13A90];
	_ =	sdelay $0x3  }
0x93: {  	s2 =	sadd.s32 $0x20, s1  }
0x94: {  	v22 =	vld [tilespmem:s2+$0xFFFFFFF0];
	v7 =	vpack.i.f32.bf16 v5, v6  }
0x95: {  	v23 =	vld [tilespmem:s2+$0x0];
	[tilespmem:$0x4E80] =	vst v7  }
0x96: {  	v7 =	vld [tilespmem:$0x16200];
	[tilespmem:s15], [sflag:$0x4] =	stream.linear.gather [hbm4b:s11+s4], $0x4E20, $0x38  }
0x97: {  	_ =	swait.ge [sflag:s18], $0x4E20  }
0x98: {  	[sflag:s18] =	ssyncset.done $0x0  }
0x99: {  	s16 =	simm.s32 $0xC520;
	[sflag:s18] =	ssyncadd.s32 $0xFFFFB1E0  }
0x9a: {  	v24 =	vld [tilespmem:s16+$0xFFFFD8E0]  }
0x9b: {  	v25 =	vld [tilespmem:s16+$0xFFFFFFF0]  }
0x9c: {  	v27 =	vld [tilespmem:s16+$0x0]  }
0x9d: {  	v26 =	vld [tilespmem:s16+$0xFFFFD8F0]  }
0x9e: {  	s30 =	simm.s32 $0xC540  }
0x9f: {  	v21 =	vadd.f32 v21, v13;
	v10 =	vmul.f32 v15, v10;
	v13 =	vld [tilespmem:s30+$0x0]  }
0xa0: {  	v19 =	vadd.f32 v20, v19;
	v11 =	vmul.f32 v15, v11;
	v15 =	vld [tilespmem:s30+$0xFFFFD8E0]  }
0xa1: {  	s31 =	simm.s32 $0x4F10;
	v10 =	vadd.f32 v10, v21;
	v21 =	vmul.f32 v18, v16;
	v16 =	vld [tilespmem:s30+$0xFFFFFFF0];
	v20 =	vpack.i.f32.bf16 v25, v24  }
0xa2: {  	v11 =	vadd.f32 v11, v19;
	v8 =	vmul.f32 v18, v8;
	s2 =	simm.s32 $0x13B10;
	v19 =	vld [tilespmem:s30+$0xFFFFD8F0];
	v18 =	vpack.i.f32.bf16 v27, v26;
	[tilespmem:s31+$0xFFFFFFF0] =	vst v20  }
0xa3: {  	v10 =	vadd.f32 v21, v10;
	v12 =	vmul.f32 v22, v12;
	[tilespmem:s31+$0x0] =	vst v18;
	v20 =	vld [tilespmem:s2+$0xFFFFFFF0]  }
0xa4: {  	v8 =	vadd.f32 v8, v11;
	s16 =	simm.s32 $0xC560;
	v28 =	vld [tilespmem:s2+$0x0]  }
0xa5: {  	v11 =	vmul.f32 v22, v14;
	v10 =	vadd.f32 v12, v10;
	v12 =	vmul.f32 v23, v17;
	v14 =	vld [tilespmem:s16+$0x0]  }
0xa6: {  	s0 =	simm.s32 $0x4F30;
	v17 =	vld [tilespmem:s16+$0xFFFFD8E0];
	v21 =	vpack.i.f32.bf16 v16, v15  }
0xa7: {  	s1 =	simm.s32 $0x13B30;
	v11 =	vadd.f32 v11, v8;
	v9 =	vmul.f32 v23, v9;
	v8 =	vadd.f32 v12, v10;
	v18 =	vld [tilespmem:s16+$0xFFFFFFF0];
	[tilespmem:s0+$0xFFFFFFF0] =	vst v21  }
0xa8: {  	v23 =	vpack.i.f32.bf16 v13, v19;
	v21 =	vld [tilespmem:s1+$0xFFFFFFF0];
	v10 =	vmul.f32 v20, v24;
	v22 =	vmul.f32 v20, v25  }
0xa9: {  	v12 =	vimm.f32 $0.0e+00;
	v9 =	vadd.f32 v9, v11;
	[tilespmem:s0+$0x0] =	vst v23;
	v20 =	vld [tilespmem:s16+$0xFFFFD8F0];
	v26 =	vmul.f32 v28, v26  }
0xaa: {  	s28 =	simm.s32 $0x4;
	s29 =	simm.s32 $0xC580;
	v25 =	vmul.f32 v28, v27;
	v24 =	vadd.f32 v10, v12;
	v23 =	vadd.f32 v22, v12;
	v22 =	vld [tilespmem:s1+$0x0]  }
.LBB2_14:
0xab: {  	s28 =	sadd.s32 $0x2, s28  }
0xac: {  	v10 =	vld [tilespmem:s29+$0x0];
	v11 =	vadd.f32 v26, v24;
	v12 =	vmov v17;
	p0 =	slt.u32 s28, $0x26E  }
.Ltmp8:
0xad: {  	s0 =	sadd.s32 $0x20, s0;
	v17 =	vld [tilespmem:s29+$0xFFFFD8E0];
	v24 =	vpack.i.f32.bf16 v18, v12;
	v23 =	vadd.f32 v25, v23;
	(pc) =	sbr.rel @p0 .LBB2_14-.Ltmp8, $4  }
0xae: {  	s1 =	sadd.s32 $0x20, s1;
	[tilespmem:s0+$0xFFFFFFF0] =	vst v24;
	v24 =	vmul.f32 v21, v15;
	v25 =	vmul.f32 v21, v16;
	v15 =	vmovc v12;
	v16 =	vmov v18;
	v18 =	vld [tilespmem:s29+$0xFFFFFFF0]  }
0xaf: {  	v21 =	vld [tilespmem:s1+$0xFFFFFFF0];
	v12 =	vpack.i.f32.bf16 v14, v20;
	v27 =	vmov v20  }
0xb0: {  	v20 =	vld [tilespmem:s29+$0xFFFFD8F0];
	[tilespmem:s0+$0x0] =	vst v12;
	v24 =	vadd.f32 v24, v11;
	v23 =	vadd.f32 v25, v23;
	v26 =	vmul.f32 v22, v19  }
0xb1: {  	s29 =	sadd.s32 $0x20, s29;
	v25 =	vmul.f32 v22, v13;
	v13 =	vmovc v14;
	v19 =	vmov v27;
	v22 =	vld [tilespmem:s1+$0x0];
	v14 =	vmov v10  }
0xb2: {  	_ =	sdelay $0x1  }
0xb3: {  	s0 =	sadd.s32 $0x20, s0;
	v10 =	vpack.i.f32.bf16 v18, v17  }
0xb4: {  	[tilespmem:s0+$0xFFFFFFF0] =	vst v10;
	v10 =	vpack.i.f32.bf16 v14, v20  }
0xb5: {  	[tilespmem:s0+$0x0] =	vst v10  }
0xb6: {  	v10 =	vld [tilespmem:$0xC500]  }
0xb7: {  	v11 =	vld [tilespmem:$0xEC10];
	_ =	sdelay $0x3  }
0xb8: {  	s2 =	sadd.s32 $0x20, s1  }
0xb9: {  	v27 =	vld [tilespmem:s2+$0xFFFFFFF0];
	v12 =	vpack.i.f32.bf16 v11, v10  }
0xba: {  	v28 =	vld [tilespmem:s2+$0x0];
	[tilespmem:$0x7600] =	vst v12  }
0xbb: {  	v12 =	vld [tilespmem:$0x16200];
	_ =	swait.ge [sflag:s19], $0x4E20  }
0xbc: {  	[sflag:s19] =	ssyncset.done $0x0  }
0xbd: {  	s16 =	simm.s32 $0x113A0;
	[sflag:s19] =	ssyncadd.s32 $0xFFFFB1E0  }
0xbe: {  	v29 =	vld [tilespmem:s16+$0xFFFFD8E0]  }
0xbf: {  	v30 =	vld [tilespmem:s16+$0xFFFFFFF0]  }
0xc0: {  	v31 =	vld [tilespmem:s16+$0x0]  }
0xc1: {  	v32 =	vld [tilespmem:s16+$0xFFFFD8F0]  }
0xc2: {  	s30 =	simm.s32 $0x113C0;
	v24 =	vadd.f32 v26, v24;
	v26 =	vmul.f32 v21, v15  }
0xc3: {  	v23 =	vadd.f32 v25, v23;
	v16 =	vmul.f32 v21, v16;
	v15 =	vld [tilespmem:s30+$0x0]  }
0xc4: {  	s31 =	simm.s32 $0x7690;
	v24 =	vadd.f32 v26, v24;
	v26 =	vmul.f32 v22, v19;
	v21 =	vld [tilespmem:s30+$0xFFFFD8E0];
	v25 =	vpack.i.f32.bf16 v30, v29  }
0xc5: {  	v16 =	vadd.f32 v16, v23;
	v13 =	vmul.f32 v22, v13;
	s2 =	simm.s32 $0x13B10;
	v19 =	vld [tilespmem:s30+$0xFFFFFFF0];
	[tilespmem:s31+$0xFFFFFFF0] =	vst v25  }
0xc6: {  	v24 =	vadd.f32 v26, v24;
	v17 =	vmul.f32 v27, v17;
	v22 =	vpack.i.f32.bf16 v31, v32;
	v23 =	vld [tilespmem:s2+$0xFFFFFFF0]  }
0xc7: {  	s16 =	simm.s32 $0x113E0;
	[tilespmem:s31+$0x0] =	vst v22;
	v22 =	vld [tilespmem:s30+$0xFFFFD8F0]  }
0xc8: {  	v13 =	vadd.f32 v13, v16;
	v16 =	vmul.f32 v27, v18;
	v24 =	vadd.f32 v17, v24;
	v17 =	vld [tilespmem:s16+$0x0]  }
0xc9: {  	v27 =	vld [tilespmem:s2+$0x0]  }
0xca: {  	s0 =	simm.s32 $0x76B0;
	v20 =	vmul.f32 v28, v20;
	v16 =	vadd.f32 v16, v13;
	v18 =	vld [tilespmem:s16+$0xFFFFD8E0];
	v25 =	vpack.i.f32.bf16 v19, v21  }
0xcb: {  	v26 =	vmul.f32 v28, v14;
	v28 =	vimm.f32 $0.0e+00;
	v14 =	vld [tilespmem:s16+$0xFFFFFFF0];
	[tilespmem:s0+$0xFFFFFFF0] =	vst v25;
	v25 =	vmul.f32 v23, v29  }
0xcc: {  	s1 =	simm.s32 $0x13B30;
	v13 =	vadd.f32 v20, v24;
	v20 =	vld [tilespmem:s16+$0xFFFFD8F0];
	v23 =	vmul.f32 v23, v30;
	v29 =	vpack.i.f32.bf16 v15, v22  }
0xcd: {  	v16 =	vadd.f32 v26, v16;
	v24 =	vld [tilespmem:s1+$0xFFFFFFF0];
	[tilespmem:s0+$0x0] =	vst v29;
	v26 =	vadd.f32 v25, v28  }
0xce: {  	s28 =	simm.s32 $0x4;
	s29 =	simm.s32 $0x11400;
	v25 =	vadd.f32 v23, v28;
	v28 =	vmul.f32 v27, v32;
	v23 =	vld [tilespmem:s1+$0x0];
	v27 =	vmul.f32 v27, v31  }
.LBB2_16:
0xcf: {  	s28 =	sadd.s32 $0x2, s28  }
0xd0: {  	v29 =	vld [tilespmem:s29+$0x0];
	v26 =	vadd.f32 v28, v26;
	v28 =	vmov v18;
	p0 =	slt.u32 s28, $0x26E  }
.Ltmp9:
0xd1: {  	s0 =	sadd.s32 $0x20, s0;
	v18 =	vld [tilespmem:s29+$0xFFFFD8E0];
	v30 =	vpack.i.f32.bf16 v14, v28;
	v25 =	vadd.f32 v27, v25;
	(pc) =	sbr.rel @p0 .LBB2_16-.Ltmp9, $4  }
0xd2: {  	s1 =	sadd.s32 $0x20, s1;
	[tilespmem:s0+$0xFFFFFFF0] =	vst v30;
	v27 =	vmul.f32 v24, v21;
	v30 =	vmul.f32 v24, v19;
	v21 =	vmovc v28;
	v19 =	vmov v14;
	v14 =	vld [tilespmem:s29+$0xFFFFFFF0]  }
0xd3: {  	v24 =	vld [tilespmem:s1+$0xFFFFFFF0];
	v28 =	vpack.i.f32.bf16 v17, v20;
	v31 =	vmov v20  }
0xd4: {  	v20 =	vld [tilespmem:s29+$0xFFFFD8F0];
	[tilespmem:s0+$0x0] =	vst v28;
	v26 =	vadd.f32 v27, v26;
	v25 =	vadd.f32 v30, v25;
	v28 =	vmul.f32 v23, v22  }
0xd5: {  	s29 =	sadd.s32 $0x20, s29;
	v27 =	vmul.f32 v23, v15;
	v15 =	vmovc v17;
	v22 =	vmov v31;
	v23 =	vld [tilespmem:s1+$0x0];
	v17 =	vmov v29  }
0xd6: {  	_ = 	snop  }
0xd7: {  	s0 =	sadd.s32 $0x20, s0;
	v29 =	vpack.i.f32.bf16 v14, v18  }
0xd8: {  	s1 =	sadd.s32 $0x20, s1;
	[tilespmem:s0+$0xFFFFFFF0] =	vst v29  }
0xd9: {  	v26 =	vadd.f32 v28, v26;
	v21 =	vmul.f32 v24, v21;
	v29 =	vld [tilespmem:s1+$0xFFFFFFF0];
	v58 =	vpack.i.f32.bf16 v17, v20  }
0xda: {  	v25 =	vadd.f32 v27, v25;
	v19 =	vmul.f32 v24, v19;
	[tilespmem:s0+$0x0] =	vst v58  }
0xdb: {  	v21 =	vadd.f32 v21, v26;
	v22 =	vmul.f32 v23, v22;
	v24 =	vld [tilespmem:s1+$0x0]  }
0xdc: {  	v19 =	vadd.f32 v19, v25;
	v15 =	vmul.f32 v23, v15  }
0xdd: {  	v0 =	vmul.f32 v2, v0;
	v60 =	vld [tilespmem:$0x11380];
	v21 =	vadd.f32 v22, v21  }
0xde: {  	v61 =	vld [tilespmem:$0x13A90];
	v15 =	vadd.f32 v15, v19;
	v59 =	vmul.f32 v29, v18;
	v14 =	vmul.f32 v29, v14  }
0xdf: {  	v1 =	vmul.f32 v2, v1;
	v2 =	vmul.f32 v7, v6;
	v63 =	vld [tilespmem:$0x16200]  }
0xe0: {  	v18 =	vadd.f32 v59, v21;
	v14 =	vadd.f32 v14, v15;
	v15 =	vmul.f32 v24, v20  }
0xe1: {  	v62 =	vmul.f32 v24, v17;
	v24 =	vadd.f32 v0, v3;
	v0 =	vadd.f32 v2, v8  }
0xe2: {  	v2 =	vmul.f32 v12, v10;
	v3 =	vmul.f32 v12, v11;
	v15 =	vadd.f32 v15, v18  }
0xe3: {  	v17 =	vadd.f32 v62, v14;
	v14 =	vadd.f32 v1, v4;
	v1 =	vmul.f32 v7, v5  }
0xe4: {  	v4 =	vmul.f32 v63, v60;
	v5 =	vmul.f32 v63, v61;
	v2 =	vadd.f32 v2, v13  }
0xe5: {  	v7 =	vadd.f32 v3, v16;
	v3 =	vpack.i.f32.bf16 v61, v60;
	v1 =	vadd.f32 v1, v9  }
0xe6: {  	s28 =	simm.s32 $0x0;
	s29 =	simm.s32 $0x0;
	[tilespmem:$0x9D80] =	vst v3;
	v9 =	vadd.f32 v4, v15;
	v5 =	vadd.f32 v5, v17  }
.LBB2_18:
0xe7: {  	_ =	swait.ge [sflag:s20], $0xC80  }
0xe8: {  	[sflag:s20] =	ssyncset.done $0x0  }
0xe9: {  	[sflag:s20] =	ssyncadd.s32 $0xFFFFF380  }
0xea: {  	_ =	swait.ge [sflag:s20], $0xC80  }
0xeb: {  	s0 =	sand.u32 $0x40, s28;
	s1 =	sand.u32 $0x1F00, s28;
	[sflag:s20] =	ssyncset.done $0x0  }
0xec: {  	s0 =	sor.u32 s0, s1;
	[sflag:s20] =	ssyncadd.s32 $0xFFFFF380  }
0xed: {  	v3 =	vld [tilespmem:s0+$0x162A0];
	_ =	sdelay $0x3  }
0xee: {  	v8 =	vld [tilespmem:s0+$0x162B0]  }
0xef: {  	v10 =	vld [tilespmem:s0+$0x16280];
	v41 =	vand.u32 $0xFFFF, v3  }
0xf0: {  	v11 =	vld [tilespmem:s0+$0x16290];
	v12 =	vshrl.u32 v3, $0x10  }
0xf1: {  	v6 =	vld [tilespmem:s0+$0x17BA0]  }
0xf2: {  	v4 =	vld [tilespmem:s0+$0x17B90]  }
0xf3: {  	v3 =	vld [tilespmem:s0+$0x17BB0]  }
0xf4: {  	v15 =	vld.idx.msk [tilespmem:v41+s4+$0x0], $0xffff  }
0xf5: {  	v18 =	vshrl.u32 v10, $0x10;
	v19 =	vld.idx.msk [tilespmem:v12+s4+$0x0], $0xffff  }
0xf6: {  	v22 =	vshrl.u32 v8, $0x10;
	v21 =	vld.idx.msk [tilespmem:v41+s22+$0x0], $0xffff  }
0xf7: {  	v25 =	vld.idx.msk [tilespmem:v12+s22+$0x0], $0xffff  }
0xf8: {  	v23 =	vld.idx.msk [tilespmem:v12+s21+$0x0], $0xffff  }
0xf9: {  	v10 =	vand.u32 $0xFFFF, v10;
	v26 =	vld.idx.msk [tilespmem:v41+s21+$0x0], $0xffff  }
0xfa: {  	v31 =	vshrl.u32 v11, $0x10;
	v27 =	vld.idx.msk [tilespmem:v18+s4+$0x0], $0xffff  }
0xfb: {  	v17 =	vld.idx.msk [tilespmem:v22+s22+$0x0], $0xffff  }
0xfc: {  	v32 =	vand.u32 $0xFFFF, v11;
	v13 =	vld.idx.msk [tilespmem:v22+s21+$0x0], $0xffff  }
0xfd: {  	v20 =	vld.idx.msk [tilespmem:v22+s23+$0x0], $0xffff  }
0xfe: {  	v30 =	vld.idx.msk [tilespmem:v10+s4+$0x0], $0xffff  }
0xff: {  	v16 =	vand.u32 $0xFFFF, v8;
	v8 =	vld.idx.msk [tilespmem:v31+s4+$0x0], $0xffff  }
0x100: {  	v35 =	vld.idx.msk [tilespmem:v18+s22+$0x0], $0xffff  }
0x101: {  	v11 =	vld.idx.msk [tilespmem:v32+s4+$0x0], $0xffff  }
0x102: {  	v34 =	vld.idx.msk [tilespmem:v18+s23+$0x0], $0xffff  }
0x103: {  	v36 =	vld.idx.msk [tilespmem:v32+s21+$0x0], $0xffff  }
0x104: {  	v39 =	vld.idx.msk [tilespmem:v31+s21+$0x0], $0xffff  }
0x105: {  	v40 =	vld.idx.msk [tilespmem:v10+s22+$0x0], $0xffff  }
0x106: {  	v38 =	vld.idx.msk [tilespmem:v10+s23+$0x0], $0xffff;
	v26 =	vmul.bf16 v23, v26  }
0x107: {  	v28 =	vld.idx.msk [tilespmem:v16+s4+$0x0], $0xffff;
	v23 =	vmul.bf16 v19, v15  }
0x108: {  	v29 =	vld.idx.msk [tilespmem:v32+s23+$0x0], $0xffff;
	v19 =	vmul.bf16 v8, v11;
	v33 =	vmul.bf16 v25, v21;
	v15 =	vunpack.i.u.bf16.f32 v26  }
0x109: {  	v21 =	vmul.bf16 v27, v30;
	v8 =	vmul.f32 v15, v6;
	v15 =	vld [tilespmem:s0+$0x17B80]  }
0x10a: {  	v37 =	vld.idx.msk [tilespmem:v22+s4+$0x0], $0xffff;
	v42 =	vmul.bf16 v39, v36;
	v35 =	vmul.bf16 v35, v40;
	v11 =	vunpack.i.l.bf16.f32 v26  }
0x10b: {  	v36 =	vld.idx.msk [tilespmem:v16+s23+$0x0], $0xffff;
	v25 =	vunpack.i.l.bf16.f32 v19;
	v22 =	vunpack.i.u.bf16.f32 v19;
	v26 =	vmul.bf16 v34, v38  }
0x10c: {  	v19 =	vld.idx.msk [tilespmem:v18+s21+$0x0], $0xffff;
	v43 =	vunpack.i.u.bf16.f32 v21;
	v21 =	vunpack.i.l.bf16.f32 v21;
	v27 =	vunpack.i.u.bf16.f32 v33  }
0x10d: {  	v34 =	vld.idx.msk [tilespmem:v31+s23+$0x0], $0xffff;
	v38 =	vunpack.i.l.bf16.f32 v42;
	v11 =	vmul.f32 v11, v6;
	v18 =	vmul.f32 v25, v4  }
0x10e: {  	v30 =	vmul.f32 v22, v4;
	v25 =	vunpack.i.u.bf16.f32 v23;
	v22 =	vld.idx.msk [tilespmem:v31+s22+$0x0], $0xffff;
	v44 =	vmul.f32 v21, v15  }
0x10f: {  	v31 =	vunpack.i.u.bf16.f32 v42;
	v39 =	vunpack.i.l.bf16.f32 v26;
	v40 =	vunpack.i.u.bf16.f32 v26;
	v21 =	vld.idx.msk [tilespmem:v32+s22+$0x0], $0xffff  }
0x110: {  	s30 =	simm.s32 $0x0;
	s31 =	simm.s32 $0x80;
	s1 =	simm.s32 $0x40;
	v32 =	vmul.f32 v25, v6;
	v26 =	vmul.f32 v43, v15;
	v25 =	vadd.f32 v44, v24;
	v24 =	vld.idx.msk [tilespmem:v41+s23+$0x0], $0xffff  }
.LBB2_19:
0x111: {  	s0 =	sand.u32 $0x40, s1;
	s2 =	sand.u32 $0x1F00, s31;
	s30 =	sadd.s32 $0x4, s30;
	v31 =	vmul.f32 v31, v4;
	v33 =	vunpack.i.l.bf16.f32 v33;
	v28 =	vmul.bf16 v37, v28;
	v37 =	vld.idx.msk [tilespmem:v16+s22+$0x0], $0xffff  }
0x112: {  	v39 =	vmul.f32 v39, v15;
	v40 =	vmul.f32 v40, v15;
	v23 =	vunpack.i.l.bf16.f32 v23;
	s0 =	sor.u32 s0, s2;
	p0 =	slt.u32 s30, $0xC4;
	v12 =	vld.idx.msk [tilespmem:v12+s23+$0x0], $0xffff  }
0x113: {  	v38 =	vmul.f32 v38, v4;
	v42 =	vmul.f32 v23, v6;
	v41 =	vld [tilespmem:s0+$0x162A0];
	v23 =	vunpack.i.u.bf16.f32 v28  }
0x114: {  	v44 =	vunpack.i.u.bf16.f32 v35;
	v33 =	vmul.f32 v33, v6;
	v20 =	vmul.bf16 v20, v36;
	v43 =	vld [tilespmem:s0+$0x162B0]  }
0x115: {  	v35 =	vunpack.i.l.bf16.f32 v35;
	v34 =	vmul.bf16 v34, v29;
	v29 =	vmul.f32 v23, v3;
	v36 =	vld [tilespmem:s0+$0x16280]  }
0x116: {  	v14 =	vadd.f32 v26, v14;
	v44 =	vmul.f32 v44, v15;
	v45 =	vunpack.i.u.bf16.f32 v20;
	v23 =	vld [tilespmem:s0+$0x16290]  }
0x117: {  	v46 =	vmul.f32 v27, v6;
	v20 =	vunpack.i.l.bf16.f32 v20;
	v17 =	vmul.bf16 v17, v37;
	v16 =	vld.idx.msk [tilespmem:v16+s21+$0x0], $0xffff  }
0x118: {  	v14 =	vadd.f32 v30, v14;
	v37 =	vunpack.i.l.bf16.f32 v34;
	v47 =	vmul.bf16 v12, v24  }
0x119: {  	v12 =	vshrl.u32 v41, $0x10;
	v24 =	vand.u32 $0xFFFF, v41;
	v41 =	vunpack.i.u.bf16.f32 v17  }
0x11a: {  	v17 =	vunpack.i.l.bf16.f32 v17;
	v30 =	vshrl.u32 v36, $0x10;
	v48 =	vld.idx.msk [tilespmem:v10+s21+$0x0], $0xffff;
	v10 =	vand.u32 $0xFFFF, v36  }
0x11b: {  	v49 =	vmul.f32 v17, v3;
	v26 =	vshrl.u32 v23, $0x10;
	v27 =	vand.u32 $0xFFFF, v23;
	v36 =	vld [tilespmem:s0+$0x17BB0]  }
0x11c: {  	v14 =	vadd.f32 v32, v14;
	v23 =	vunpack.i.u.bf16.f32 v34;
	v34 =	vmul.f32 v37, v4;
	v17 =	vld [tilespmem:s0+$0x17BA0]  }
0x11d: {  	v9 =	vadd.f32 v39, v9;
	v5 =	vadd.f32 v40, v5;
	v37 =	vmul.bf16 v13, v16;
	v32 =	vld [tilespmem:s0+$0x17B90]  }
0x11e: {  	v7 =	vadd.f32 v44, v7;
	v16 =	vmul.f32 v23, v4;
	v23 =	vunpack.i.u.bf16.f32 v47;
	v13 =	vld.idx.msk [tilespmem:v24+s4+$0x0], $0xffff  }
0x11f: {  	v35 =	vmul.f32 v35, v15;
	v40 =	vmul.f32 v23, v6;
	v23 =	vunpack.i.u.bf16.f32 v37;
	v39 =	vld.idx.msk [tilespmem:v12+s4+$0x0], $0xffff  }
0x120: {  	v50 =	vshrl.u32 v43, $0x10;
	v5 =	vadd.f32 v16, v5;
	v51 =	vmul.f32 v23, v3;
	v44 =	vld.idx.msk [tilespmem:v24+s22+$0x0], $0xffff  }
0x121: {  	v9 =	vadd.f32 v34, v9;
	v34 =	vmul.f32 v20, v3;
	v23 =	vunpack.i.l.bf16.f32 v28;
	v52 =	vld.idx.msk [tilespmem:v12+s22+$0x0], $0xffff  }
0x122: {  	v20 =	vunpack.i.l.bf16.f32 v47;
	v16 =	vand.u32 $0xFFFF, v43;
	v19 =	vmul.bf16 v19, v48;
	v53 =	vld.idx.msk [tilespmem:v12+s21+$0x0], $0xffff  }
0x123: {  	v18 =	vadd.f32 v18, v25;
	v20 =	vmul.f32 v20, v6;
	v25 =	vmul.f32 v23, v3;
	v43 =	vld.idx.msk [tilespmem:v24+s21+$0x0], $0xffff  }
0x124: {  	v2 =	vadd.f32 v35, v2;
	v21 =	vmul.bf16 v22, v21;
	v28 =	vunpack.i.l.bf16.f32 v19;
	v6 =	vmovc v17;
	v47 =	vld.idx.msk [tilespmem:v30+s4+$0x0], $0xffff  }
0x125: {  	v18 =	vadd.f32 v42, v18;
	v9 =	vadd.f32 v20, v9;
	v23 =	vmul.bf16 v39, v13;
	v17 =	vld.idx.msk [tilespmem:v50+s22+$0x0], $0xffff  }
0x126: {  	v19 =	vunpack.i.u.bf16.f32 v19;
	v22 =	vmul.f32 v28, v15;
	v28 =	vunpack.i.u.bf16.f32 v21;
	v13 =	vld.idx.msk [tilespmem:v50+s21+$0x0], $0xffff  }
0x127: {  	v15 =	vmul.f32 v19, v15;
	v19 =	vunpack.i.l.bf16.f32 v21;
	v21 =	vmul.f32 v28, v4;
	v20 =	vld.idx.msk [tilespmem:v50+s23+$0x0], $0xffff  }
0x128: {  	v5 =	vadd.f32 v40, v5;
	v0 =	vadd.f32 v22, v0;
	v22 =	vmul.f32 v45, v3;
	v35 =	vld.idx.msk [tilespmem:v10+s4+$0x0], $0xffff  }
0x129: {  	v1 =	vadd.f32 v15, v1;
	v15 =	vmul.f32 v19, v4;
	v7 =	vadd.f32 v21, v7;
	v39 =	vld.idx.msk [tilespmem:v26+s4+$0x0], $0xffff  }
0x12a: {  	v19 =	vunpack.i.l.bf16.f32 v37;
	v4 =	vmovc v32;
	v0 =	vadd.f32 v38, v0;
	v5 =	vadd.f32 v22, v5;
	v28 =	vld.idx.msk [tilespmem:v16+s4+$0x0], $0xffff  }
0x12b: {  	v1 =	vadd.f32 v31, v1;
	v2 =	vadd.f32 v15, v2;
	v15 =	vmul.f32 v19, v3;
	v21 =	vld.idx.msk [tilespmem:v30+s22+$0x0], $0xffff  }
0x12c: {  	v32 =	vmul.f32 v41, v3;
	v7 =	vadd.f32 v46, v7;
	v0 =	vadd.f32 v11, v0;
	v19 =	vld.idx.msk [tilespmem:v27+s4+$0x0], $0xffff  }
0x12d: {  	v11 =	vmul.bf16 v53, v43;
	v1 =	vadd.f32 v8, v1;
	v2 =	vadd.f32 v33, v2;
	v22 =	vld.idx.msk [tilespmem:v30+s23+$0x0], $0xffff  }
0x12e: {  	v3 =	vmov v36;
	v7 =	vadd.f32 v32, v7;
	v0 =	vadd.f32 v15, v0;
	v31 =	vld.idx.msk [tilespmem:v27+s21+$0x0], $0xffff  }
0x12f: {  	v9 =	vadd.f32 v34, v9;
	v8 =	vunpack.i.u.bf16.f32 v11;
	v1 =	vadd.f32 v51, v1;
	v32 =	vld.idx.msk [tilespmem:v10+s23+$0x0], $0xffff  }
0x130: {  	v25 =	vadd.f32 v25, v18;
	v2 =	vadd.f32 v49, v2;
	v8 =	vmul.f32 v8, v6;
	v34 =	vld.idx.msk [tilespmem:v26+s21+$0x0], $0xffff  }
0x131: {  	v14 =	vadd.f32 v29, v14;
	v33 =	vmul.bf16 v52, v44;
	v11 =	vunpack.i.l.bf16.f32 v11;
	v36 =	vld.idx.msk [tilespmem:v10+s22+$0x0], $0xffff  }
0x132: {  	v11 =	vmul.f32 v11, v6;
	v18 =	vmul.bf16 v39, v19;
	v29 =	vld.idx.msk [tilespmem:v27+s23+$0x0], $0xffff  }
0x133: {  	v15 =	vld [tilespmem:s0+$0x17B80]  }
0x134: {  	v35 =	vmul.bf16 v47, v35;
	v38 =	vunpack.i.u.bf16.f32 v18;
	v18 =	vunpack.i.l.bf16.f32 v18;
	v37 =	vld.idx.msk [tilespmem:v50+s4+$0x0], $0xffff  }
0x135: {  	v22 =	vmul.bf16 v22, v32;
	v18 =	vmul.f32 v18, v4;
	v19 =	vld.idx.msk [tilespmem:v30+s21+$0x0], $0xffff  }
.Ltmp10:
0x136: {  	v32 =	vunpack.i.u.bf16.f32 v23;
	v30 =	vmul.f32 v38, v4;
	v31 =	vmul.bf16 v34, v31;
	v34 =	vld.idx.msk [tilespmem:v26+s23+$0x0], $0xffff;
	(pc) =	sbr.rel @p0 .LBB2_19-.Ltmp10, $4  }
0x137: {  	v41 =	vunpack.i.u.bf16.f32 v35;
	v38 =	vunpack.i.l.bf16.f32 v35;
	v35 =	vmul.bf16 v21, v36;
	v36 =	vld.idx.msk [tilespmem:v16+s23+$0x0], $0xffff  }
0x138: {  	v39 =	vunpack.i.l.bf16.f32 v22;
	v42 =	vmul.f32 v38, v15;
	v21 =	vld.idx.msk [tilespmem:v27+s22+$0x0], $0xffff;
	v27 =	vunpack.i.u.bf16.f32 v33  }
0x139: {  	v32 =	vmul.f32 v32, v6;
	v40 =	vunpack.i.u.bf16.f32 v22;
	v38 =	vunpack.i.l.bf16.f32 v31;
	v22 =	vld.idx.msk [tilespmem:v26+s22+$0x0], $0xffff  }
0x13a: {  	s31 =	sadd.s32 $0x80, s31;
	s1 =	sadd.s32 $0x40, s1;
	v31 =	vunpack.i.u.bf16.f32 v31;
	v26 =	vmul.f32 v41, v15;
	v25 =	vadd.f32 v42, v25;
	v24 =	vld.idx.msk [tilespmem:v24+s23+$0x0], $0xffff  }
0x13b: {  	v31 =	vmul.f32 v31, v4;
	v28 =	vmul.bf16 v37, v28  }
0x13c: {  	v39 =	vmul.f32 v39, v15;
	v40 =	vmul.f32 v40, v15;
	v23 =	vunpack.i.l.bf16.f32 v23  }
0x13d: {  	v33 =	vunpack.i.l.bf16.f32 v33;
	v38 =	vmul.f32 v38, v4;
	v29 =	vmul.bf16 v34, v29  }
0x13e: {  	v42 =	vunpack.i.u.bf16.f32 v35;
	v27 =	vmul.f32 v27, v6;
	v23 =	vmul.f32 v23, v6  }
0x13f: {  	v54 =	vunpack.i.l.bf16.f32 v35;
	v33 =	vmul.f32 v33, v6;
	v20 =	vmul.bf16 v20, v36  }
0x140: {  	v53 =	vld.idx.msk [tilespmem:v16+s22+$0x0], $0xffff;
	v14 =	vadd.f32 v26, v14;
	v56 =	vmul.f32 v42, v15;
	v59 =	vmul.f32 v54, v15  }
0x141: {  	v12 =	vld.idx.msk [tilespmem:v12+s23+$0x0], $0xffff;
	v41 =	vunpack.i.u.bf16.f32 v28;
	v57 =	vunpack.i.l.bf16.f32 v29;
	v29 =	vunpack.i.u.bf16.f32 v29  }
0x142: {  	v16 =	vld.idx.msk [tilespmem:v16+s21+$0x0], $0xffff;
	v9 =	vadd.f32 v39, v9;
	v5 =	vadd.f32 v40, v5;
	v28 =	vunpack.i.l.bf16.f32 v28  }
0x143: {  	v10 =	vld.idx.msk [tilespmem:v10+s21+$0x0], $0xffff;
	v55 =	vmul.f32 v41, v3;
	v36 =	vunpack.i.u.bf16.f32 v20;
	v20 =	vunpack.i.l.bf16.f32 v20  }
0x144: {  	v14 =	vadd.f32 v30, v14;
	v30 =	vmul.f32 v57, v4;
	v7 =	vadd.f32 v56, v7  }
0x145: {  	v2 =	vadd.f32 v59, v2;
	v62 =	vmul.bf16 v22, v21;
	v61 =	vmul.f32 v20, v3  }
0x146: {  	v17 =	vmul.bf16 v17, v53;
	v12 =	vmul.bf16 v12, v24;
	v32 =	vadd.f32 v32, v14  }
0x147: {  	v13 =	vmul.bf16 v13, v16;
	v14 =	vmul.f32 v29, v4;
	v9 =	vadd.f32 v30, v9  }
0x148: {  	v10 =	vmul.bf16 v19, v10;
	v58 =	vunpack.i.u.bf16.f32 v17;
	v17 =	vunpack.i.l.bf16.f32 v17  }
0x149: {  	v16 =	vunpack.i.u.bf16.f32 v12;
	v60 =	vunpack.i.u.bf16.f32 v13;
	v5 =	vadd.f32 v14, v5  }
0x14a: {  	v12 =	vunpack.i.l.bf16.f32 v12;
	v14 =	vadd.f32 v18, v25;
	v16 =	vmul.f32 v16, v6  }
0x14b: {  	v29 =	vmul.f32 v60, v3;
	v6 =	vmul.f32 v12, v6;
	v12 =	vunpack.i.l.bf16.f32 v10  }
0x14c: {  	v10 =	vunpack.i.u.bf16.f32 v10;
	v63 =	vadd.f32 v23, v14;
	v12 =	vmul.f32 v12, v15  }
0x14d: {  	v10 =	vmul.f32 v10, v15;
	v6 =	vadd.f32 v6, v9;
	v9 =	vunpack.i.u.bf16.f32 v62  }
0x14e: {  	v14 =	vunpack.i.l.bf16.f32 v62;
	v5 =	vadd.f32 v16, v5;
	v9 =	vmul.f32 v9, v4  }
0x14f: {  	v0 =	vadd.f32 v12, v0;
	v12 =	vmul.f32 v36, v3;
	v1 =	vadd.f32 v10, v1  }
0x150: {  	v4 =	vmul.f32 v14, v4;
	v15 =	vadd.f32 v61, v6;
	v7 =	vadd.f32 v9, v7  }
0x151: {  	v10 =	vmul.f32 v28, v3;
	v0 =	vadd.f32 v38, v0;
	v14 =	vadd.f32 v12, v5  }
0x152: {  	p0 =	seq.s32 s29, $0x18;
	v9 =	vunpack.i.l.bf16.f32 v13;
	v1 =	vadd.f32 v31, v1;
	v2 =	vadd.f32 v4, v2  }
.Ltmp11:
0x153: {  	v13 =	vadd.f32 v10, v63;
	v4 =	vmul.f32 v9, v3;
	v0 =	vadd.f32 v11, v0;
	(pc) =	sbr.rel @p0 .LBB2_26-.Ltmp11, $4  }
0x154: {  	v5 =	vadd.f32 v27, v7;
	v7 =	vmul.f32 v58, v3;
	v1 =	vadd.f32 v8, v1  }
0x155: {  	v2 =	vadd.f32 v33, v2;
	v3 =	vmul.f32 v17, v3;
	v11 =	vadd.f32 v55, v32  }
0x156: {  	v8 =	vadd.f32 v4, v0;
	v9 =	vadd.f32 v7, v5  }
0x157: {  	v0 =	vadd.f32 v29, v1;
	v5 =	vadd.f32 v3, v2  }
0x158: {  	s0 =	smul.u32 $0x1900, s29;
	_ =	sdelay $0x1  }
0x159: {  	s0 =	sshrl.u32 s0, $0x3  }
0x15a: {  	s0 =	sadd.s32 $0x320, s0  }
0x15b: {  	s30 =	simm.s32 $0x16280;
	s1 =	sadd.s32 s5, s0  }
0x15c: {  	s31 =	simm.s32 $0x10;
	s2 =	simm.s32 $0x16380;
	s16 =	sadd.s32 $0x0, s1  }
.LBB2_22:
0x15d: {  	[tilespmem:s30], [sflag:$0x1] =	stream.linear.gather [hbm4b:s16+s4], $0x80, $0x38;
	[tilespmem:$0x19500] =	vst v63  }
0x15e: {  	s16 =	smov.u32 s31;
	s30 =	smov.u32 s2;
	p1 =	sne.s32 s31, $0x180  }
.Ltmp12:
0x15f: {  	s31 =	sadd.s32 $0x10, s31;
	(pc) =	sbr.rel @p1 .LBB2_22-.Ltmp12, $2  }
0x160: {  	_ =	sdelay $0x2  }
0x161: {  	s2 =	sadd.s32 $0x100, s2;
	s16 =	sadd.s32 s16, s1  }
0x162: {  	[tilespmem:s30], [sflag:$0x1] =	stream.linear.gather [hbm4b:s16+s4], $0x80, $0x38;
	[tilespmem:$0x19500] =	vst v63  }
0x163: {  	s0 =	sadd.s32 s3, s0;
	s1 =	simm.s32 $0x17B80  }
0x164: {  	s30 =	simm.s32 $0x10;
	s2 =	simm.s32 $0x17C80;
	s16 =	sadd.s32 $0x0, s0  }
.LBB2_24:
0x165: {  	[tilespmem:s1], [sflag:$0x1] =	stream.linear.gather [hbm4b:s16+s4], $0x80, $0x38;
	[tilespmem:$0x19500] =	vst v63  }
0x166: {  	s16 =	smov.u32 s30;
	s1 =	smov.u32 s2;
	p1 =	sne.s32 s30, $0x180  }
.Ltmp13:
0x167: {  	s30 =	sadd.s32 $0x10, s30;
	(pc) =	sbr.rel @p1 .LBB2_24-.Ltmp13, $2  }
0x168: {  	_ =	sdelay $0x2  }
0x169: {  	s2 =	sadd.s32 $0x100, s2;
	s16 =	sadd.s32 s16, s0  }
0x16a: {  	[tilespmem:s1], [sflag:$0x1] =	stream.linear.gather [hbm4b:s16+s4], $0x80, $0x38;
	[tilespmem:$0x19500] =	vst v63  }
.LBB2_26:
0x16b: {  	_ =	swait.ge [sflag:s24], $0xC80  }
0x16c: {  	p1 =	por $0x0, $0x0;
	s0 =	simm.s32 $0x1;
	[sflag:s24] =	ssyncset.done $0x0  }
0x16d: {  	s0 =	simm.s32 @!p1 $0x0;
	[sflag:s24] =	ssyncadd.s32 $0xFFFFF380  }
0x16e: {  	s0 =	sshll.u32 s0, $0x6;
	_ =	swait.ge [sflag:s24], $0xC80  }
0x16f: {  	s0 =	sadd.s32 $0x0, s0;
	[sflag:s24] =	ssyncset.done $0x0  }
0x170: {  	s1 =	sor.u32 $0x80, s0;
	[sflag:s24] =	ssyncadd.s32 $0xFFFFF380  }
0x171: {  	s2 =	sor.u32 $0x90, s0;
	v6 =	vld [tilespmem:s1+$0x16280]  }
0x172: {  	s16 =	sor.u32 $0xA0, s0;
	v12 =	vld [tilespmem:s2+$0x16280]  }
0x173: {  	v3 =	vld [tilespmem:s16+$0x16280]  }
0x174: {  	s0 =	sor.u32 $0xB0, s0  }
0x175: {  	v16 =	vld [tilespmem:s0+$0x16280]  }
0x176: {  	v17 =	vshrl.u32 v6, $0x10  }
0x177: {  	v1 =	vld [tilespmem:s0+$0x17B80];
	v10 =	vshrl.u32 v12, $0x10  }
0x178: {  	v2 =	vld [tilespmem:s16+$0x17B80];
	v20 =	vshrl.u32 v3, $0x10  }
0x179: {  	v4 =	vld [tilespmem:s1+$0x17B80];
	v21 =	vand.u32 $0xFFFF, v3  }
0x17a: {  	v3 =	vld [tilespmem:s2+$0x17B80];
	v7 =	vand.u32 $0xFFFF, v16  }
0x17b: {  	v18 =	vld.idx.msk [tilespmem:v17+s23+$0x0], $0xffff  }
0x17c: {  	v22 =	vand.u32 $0xFFFF, v12;
	v12 =	vld.idx.msk [tilespmem:v10+s4+$0x0], $0xffff  }
0x17d: {  	v19 =	vand.u32 $0xFFFF, v6;
	v23 =	vld.idx.msk [tilespmem:v20+s4+$0x0], $0xffff  }
0x17e: {  	v26 =	vld.idx.msk [tilespmem:v21+s4+$0x0], $0xffff  }
0x17f: {  	v32 =	vld.idx.msk [tilespmem:v7+s22+$0x0], $0xffff  }
0x180: {  	v34 =	vld.idx.msk [tilespmem:v21+s23+$0x0], $0xffff  }
0x181: {  	v25 =	vld.idx.msk [tilespmem:v22+s4+$0x0], $0xffff  }
0x182: {  	v27 =	vld.idx.msk [tilespmem:v19+s4+$0x0], $0xffff  }
0x183: {  	v6 =	vshrl.u32 v16, $0x10;
	v28 =	vld.idx.msk [tilespmem:v20+s22+$0x0], $0xffff  }
0x184: {  	v29 =	vld.idx.msk [tilespmem:v21+s22+$0x0], $0xffff  }
0x185: {  	v30 =	vld.idx.msk [tilespmem:v19+s23+$0x0], $0xffff  }
0x186: {  	v31 =	vld.idx.msk [tilespmem:v17+s4+$0x0], $0xffff  }
0x187: {  	v33 =	vld.idx.msk [tilespmem:v10+s23+$0x0], $0xffff  }
0x188: {  	v38 =	vld.idx.msk [tilespmem:v6+s22+$0x0], $0xffff  }
0x189: {  	v35 =	vld.idx.msk [tilespmem:v20+s23+$0x0], $0xffff  }
0x18a: {  	v24 =	vld.idx.msk [tilespmem:v17+s21+$0x0], $0xffff  }
0x18b: {  	v36 =	vld.idx.msk [tilespmem:v17+s22+$0x0], $0xffff;
	v16 =	vmul.bf16 v28, v29;
	v29 =	vmul.bf16 v18, v30  }
0x18c: {  	v30 =	vld.idx.msk [tilespmem:v22+s23+$0x0], $0xffff;
	v18 =	vmul.bf16 v31, v27;
	v17 =	vmul.bf16 v12, v25  }
0x18d: {  	v31 =	vld.idx.msk [tilespmem:v19+s22+$0x0], $0xffff;
	v32 =	vmul.bf16 v38, v32;
	v37 =	vunpack.i.l.bf16.f32 v16;
	v27 =	vunpack.i.u.bf16.f32 v29  }
0x18e: {  	v20 =	vld.idx.msk [tilespmem:v20+s21+$0x0], $0xffff;
	v12 =	vunpack.i.u.bf16.f32 v18;
	v28 =	vunpack.i.l.bf16.f32 v18;
	v18 =	vmul.f32 v27, v4  }
0x18f: {  	v25 =	vld.idx.msk [tilespmem:v10+s22+$0x0], $0xffff;
	v27 =	vmul.f32 v28, v4;
	v39 =	vmul.f32 v12, v4;
	v12 =	vunpack.i.l.bf16.f32 v29  }
0x190: {  	v41 =	vunpack.i.u.bf16.f32 v16;
	v28 =	vld.idx.msk [tilespmem:v19+s21+$0x0], $0xffff;
	v40 =	vmul.f32 v12, v4;
	v12 =	vmul.f32 v37, v2  }
0x191: {  	v19 =	vld.idx.msk [tilespmem:v22+s21+$0x0], $0xffff;
	v16 =	vadd.f32 v39, v11;
	v63 =	vmul.bf16 v33, v30;
	v11 =	vmul.f32 v41, v2  }
0x192: {  	v29 =	vld.idx.msk [tilespmem:v22+s22+$0x0], $0xffff;
	v33 =	vmul.bf16 v36, v31;
	v31 =	vmul.bf16 v23, v26  }
0x193: {  	v26 =	vld.idx.msk [tilespmem:v21+s21+$0x0], $0xffff;
	v21 =	vmul.bf16 v35, v34;
	v15 =	vadd.f32 v40, v15;
	v30 =	vunpack.i.u.bf16.f32 v63  }
0x194: {  	s30 =	simm.s32 $0x0;
	s31 =	simm.s32 $0x0;
	p1 =	por !p1, !p1;
	v22 =	vld.idx.msk [tilespmem:v7+s23+$0x0], $0xffff;
	v23 =	vunpack.i.l.bf16.f32 v63;
	v35 =	vunpack.i.u.bf16.f32 v33;
	v34 =	vunpack.i.u.bf16.f32 v31  }
.LBB2_27:
0x195: {  	s0 =	simm.s32 $0x1  }
0x196: {  	s31 =	sadd.s32 $0x4, s31;
	v35 =	vmul.f32 v35, v4;
	v14 =	vadd.f32 v18, v14;
	v18 =	vmul.f32 v34, v2;
	v34 =	vld.idx.msk [tilespmem:v7+s4+$0x0], $0xffff;
	s30 =	sadd.s32 $0x80, s30;
	s0 =	simm.s32 @!p1 $0x0  }
0x197: {  	v13 =	vadd.f32 v27, v13;
	v24 =	vmul.bf16 v24, v28;
	v27 =	vunpack.i.l.bf16.f32 v33;
	p2 =	slt.u32 s31, $0xC4;
	s0 =	sshll.u32 s0, $0x6;
	v28 =	vld.idx.msk [tilespmem:v10+s21+$0x0], $0xffff  }
0x198: {  	v27 =	vmul.f32 v27, v4;
	v10 =	vmul.bf16 v25, v29;
	v25 =	vunpack.i.l.bf16.f32 v31;
	s0 =	sadd.s32 s0, s30;
	v29 =	vld.idx.msk [tilespmem:v6+s4+$0x0], $0xffff  }
0x199: {  	v30 =	vmul.f32 v30, v3;
	v33 =	vunpack.i.l.bf16.f32 v32;
	v31 =	vunpack.i.l.bf16.f32 v24;
	s1 =	sor.u32 $0x80, s0;
	s2 =	sor.u32 $0x90, s0;
	v36 =	vld.idx.msk [tilespmem:v6+s23+$0x0], $0xffff  }
0x19a: {  	v38 =	vunpack.i.l.bf16.f32 v17;
	v32 =	vunpack.i.u.bf16.f32 v32;
	v31 =	vmul.f32 v31, v4;
	v37 =	vld [tilespmem:s1+$0x16280]  }
0x19b: {  	v9 =	vadd.f32 v35, v9;
	v25 =	vmul.f32 v25, v2;
	s16 =	sor.u32 $0xA0, s0;
	v26 =	vmul.bf16 v20, v26;
	v39 =	vld [tilespmem:s2+$0x16280]  }
0x19c: {  	v42 =	vmul.f32 v23, v3;
	s0 =	sor.u32 $0xB0, s0;
	v40 =	vunpack.i.u.bf16.f32 v10;
	v41 =	vunpack.i.l.bf16.f32 v10;
	v35 =	vld [tilespmem:s16+$0x16280]  }
0x19d: {  	v45 =	vunpack.i.u.bf16.f32 v21;
	v10 =	vunpack.i.l.bf16.f32 v21;
	v44 =	vunpack.i.u.bf16.f32 v26;
	v43 =	vld [tilespmem:s0+$0x16280]  }
0x19e: {  	v8 =	vadd.f32 v31, v8;
	v31 =	vmul.f32 v38, v3;
	v38 =	vmul.f32 v10, v2;
	v46 =	vld.idx.msk [tilespmem:v7+s21+$0x0], $0xffff  }
0x19f: {  	v36 =	vmul.bf16 v36, v22;
	v47 =	vshrl.u32 v37, $0x10;
	v23 =	vand.u32 $0xFFFF, v37;
	v37 =	vld [tilespmem:s0+$0x17B80]  }
0x1a0: {  	v29 =	vmul.bf16 v29, v34;
	v10 =	vshrl.u32 v39, $0x10;
	v22 =	vand.u32 $0xFFFF, v39;
	v34 =	vld.idx.msk [tilespmem:v6+s21+$0x0], $0xffff  }
0x1a1: {  	v19 =	vmul.bf16 v28, v19;
	v20 =	vshrl.u32 v35, $0x10;
	v39 =	vld [tilespmem:s16+$0x17B80];
	v21 =	vand.u32 $0xFFFF, v35  }
0x1a2: {  	v35 =	vmul.f32 v41, v3;
	v41 =	vunpack.i.l.bf16.f32 v29;
	v28 =	vld [tilespmem:s2+$0x17B80];
	v6 =	vshrl.u32 v43, $0x10  }
0x1a3: {  	v7 =	vand.u32 $0xFFFF, v43;
	v43 =	vmul.f32 v45, v2;
	v41 =	vmul.f32 v41, v1;
	v48 =	vld [tilespmem:s1+$0x17B80]  }
0x1a4: {  	v5 =	vadd.f32 v27, v5;
	v13 =	vadd.f32 v31, v13;
	v27 =	vunpack.i.u.bf16.f32 v19;
	v45 =	vld.idx.msk [tilespmem:v47+s23+$0x0], $0xffff  }
0x1a5: {  	v17 =	vunpack.i.u.bf16.f32 v17;
	v24 =	vunpack.i.u.bf16.f32 v24;
	v27 =	vmul.f32 v27, v3;
	v31 =	vld.idx.msk [tilespmem:v10+s4+$0x0], $0xffff  }
0x1a6: {  	v33 =	vmul.f32 v33, v1;
	v19 =	vunpack.i.l.bf16.f32 v19;
	v50 =	vunpack.i.u.bf16.f32 v36;
	v49 =	vld.idx.msk [tilespmem:v20+s4+$0x0], $0xffff  }
0x1a7: {  	v17 =	vmul.f32 v17, v3;
	v5 =	vadd.f32 v35, v5;
	v35 =	vmul.f32 v40, v3;
	v51 =	vld.idx.msk [tilespmem:v21+s4+$0x0], $0xffff  }
0x1a8: {  	v14 =	vadd.f32 v30, v14;
	v19 =	vmul.f32 v19, v3;
	v30 =	vunpack.i.l.bf16.f32 v36;
	v3 =	vmovc v28;
	v40 =	vld.idx.msk [tilespmem:v7+s22+$0x0], $0xffff  }
0x1a9: {  	v24 =	vmul.f32 v24, v4;
	v9 =	vadd.f32 v35, v9;
	v28 =	vmul.f32 v50, v1;
	v36 =	vld.idx.msk [tilespmem:v21+s23+$0x0], $0xffff  }
0x1aa: {  	v16 =	vadd.f32 v17, v16;
	v17 =	vunpack.i.l.bf16.f32 v26;
	v26 =	vmul.bf16 v34, v46;
	v4 =	vmovc v48;
	v35 =	vld.idx.msk [tilespmem:v22+s4+$0x0], $0xffff  }
0x1ab: {  	v0 =	vadd.f32 v24, v0;
	v17 =	vmul.f32 v17, v2;
	v13 =	vadd.f32 v25, v13;
	v34 =	vld.idx.msk [tilespmem:v23+s4+$0x0], $0xffff  }
0x1ac: {  	v15 =	vadd.f32 v42, v15;
	v24 =	vmul.f32 v44, v2;
	v5 =	vadd.f32 v12, v5;
	v25 =	vld.idx.msk [tilespmem:v20+s22+$0x0], $0xffff  }
0x1ad: {  	v8 =	vadd.f32 v19, v8;
	v0 =	vadd.f32 v27, v0;
	v19 =	vmul.f32 v30, v1;
	v12 =	vld.idx.msk [tilespmem:v21+s22+$0x0], $0xffff  }
0x1ae: {  	v2 =	vmovc v39;
	v9 =	vadd.f32 v11, v9;
	v11 =	vunpack.i.u.bf16.f32 v26;
	v26 =	vunpack.i.l.bf16.f32 v26;
	v27 =	vld.idx.msk [tilespmem:v23+s23+$0x0], $0xffff  }
0x1af: {  	v8 =	vadd.f32 v17, v8;
	v17 =	vmul.f32 v32, v1;
	v14 =	vadd.f32 v43, v14;
	v30 =	vld.idx.msk [tilespmem:v47+s4+$0x0], $0xffff  }
0x1b0: {  	v15 =	vadd.f32 v38, v15;
	v0 =	vadd.f32 v24, v0;
	v24 =	vunpack.i.u.bf16.f32 v29;
	v32 =	vld.idx.msk [tilespmem:v10+s23+$0x0], $0xffff  }
0x1b1: {  	v13 =	vadd.f32 v41, v13;
	v29 =	vmul.f32 v24, v1;
	v11 =	vmul.f32 v11, v1;
	v38 =	vld.idx.msk [tilespmem:v20+s23+$0x0], $0xffff  }
0x1b2: {  	v5 =	vadd.f32 v33, v5;
	v39 =	vmul.f32 v26, v1;
	v14 =	vadd.f32 v28, v14;
	v24 =	vld.idx.msk [tilespmem:v47+s21+$0x0], $0xffff  }
0x1b3: {  	v16 =	vadd.f32 v18, v16;
	v15 =	vadd.f32 v19, v15;
	v12 =	vmul.bf16 v25, v12;
	v26 =	vld.idx.msk [tilespmem:v47+s22+$0x0], $0xffff  }
0x1b4: {  	v9 =	vadd.f32 v17, v9;
	v8 =	vadd.f32 v39, v8;
	v19 =	vmul.bf16 v45, v27;
	v33 =	vld.idx.msk [tilespmem:v22+s23+$0x0], $0xffff  }
0x1b5: {  	v1 =	vmovc v37;
	v0 =	vadd.f32 v11, v0;
	v18 =	vmul.bf16 v30, v34;
	v34 =	vunpack.i.l.bf16.f32 v12;
	v30 =	vld.idx.msk [tilespmem:v23+s22+$0x0], $0xffff  }
0x1b6: {  	v16 =	vadd.f32 v29, v16;
	v17 =	vmul.bf16 v31, v35;
	v11 =	vunpack.i.u.bf16.f32 v19;
	v25 =	vld.idx.msk [tilespmem:v10+s22+$0x0], $0xffff  }
0x1b7: {  	v28 =	vunpack.i.u.bf16.f32 v18;
	v27 =	vunpack.i.l.bf16.f32 v18;
	v18 =	vmul.f32 v11, v4;
	v37 =	vld.idx.msk [tilespmem:v6+s22+$0x0], $0xffff  }
0x1b8: {  	v19 =	vunpack.i.l.bf16.f32 v19;
	v27 =	vmul.f32 v27, v4;
	v11 =	vmul.f32 v28, v4;
	v28 =	vld.idx.msk [tilespmem:v23+s21+$0x0], $0xffff  }
.Ltmp14:
0x1b9: {  	v31 =	vunpack.i.u.bf16.f32 v12;
	v12 =	vmul.f32 v34, v2;
	v23 =	vmul.f32 v19, v4;
	v19 =	vld.idx.msk [tilespmem:v22+s21+$0x0], $0xffff;
	(pc) =	sbr.rel @p2 .LBB2_27-.Ltmp14, $4  }
0x1ba: {  	v16 =	vadd.f32 v11, v16;
	v32 =	vmul.bf16 v32, v33;
	v11 =	vmul.f32 v31, v2;
	v29 =	vld.idx.msk [tilespmem:v22+s22+$0x0], $0xffff  }
0x1bb: {  	v31 =	vmul.bf16 v49, v51;
	v33 =	vmul.bf16 v26, v30;
	v15 =	vadd.f32 v23, v15;
	v22 =	vld.idx.msk [tilespmem:v7+s23+$0x0], $0xffff  }
0x1bc: {  	v30 =	vunpack.i.u.bf16.f32 v32;
	v23 =	vunpack.i.l.bf16.f32 v32;
	v26 =	vld.idx.msk [tilespmem:v21+s21+$0x0], $0xffff;
	v21 =	vmul.bf16 v38, v36  }
0x1bd: {  	p1 =	por !p1, !p1;
	v34 =	vunpack.i.u.bf16.f32 v31;
	v35 =	vunpack.i.u.bf16.f32 v33;
	v32 =	vmul.bf16 v37, v40;
	v20 =	vld.idx.msk [tilespmem:v20+s21+$0x0], $0xffff  }
0x1be: {  	_ = 	snop  }
0x1bf: {  	v35 =	vmul.f32 v35, v4;
	v14 =	vadd.f32 v18, v14;
	v49 =	vmul.f32 v34, v2  }
0x1c0: {  	v13 =	vadd.f32 v27, v13;
	v24 =	vmul.bf16 v24, v28;
	v27 =	vunpack.i.l.bf16.f32 v33  }
0x1c1: {  	v51 =	vunpack.i.l.bf16.f32 v31;
	v30 =	vmul.f32 v30, v3;
	v37 =	vunpack.i.l.bf16.f32 v17  }
0x1c2: {  	v50 =	vld.idx.msk [tilespmem:v7+s4+$0x0], $0xffff;
	v23 =	vmul.f32 v23, v3;
	v38 =	vunpack.i.l.bf16.f32 v21;
	v57 =	vunpack.i.u.bf16.f32 v21  }
0x1c3: {  	v10 =	vld.idx.msk [tilespmem:v10+s21+$0x0], $0xffff;
	v59 =	vunpack.i.u.bf16.f32 v17;
	v27 =	vmul.f32 v27, v4;
	v25 =	vmul.bf16 v25, v29  }
0x1c4: {  	v52 =	vld.idx.msk [tilespmem:v6+s4+$0x0], $0xffff;
	v54 =	vunpack.i.l.bf16.f32 v32;
	v28 =	vmul.f32 v51, v2;
	v37 =	vmul.f32 v37, v3  }
0x1c5: {  	v36 =	vld.idx.msk [tilespmem:v6+s23+$0x0], $0xffff;
	v55 =	vunpack.i.u.bf16.f32 v32;
	v38 =	vmul.f32 v38, v2;
	v21 =	vmul.f32 v57, v2  }
0x1c6: {  	v7 =	vld.idx.msk [tilespmem:v7+s21+$0x0], $0xffff;
	v17 =	vmul.f32 v59, v3;
	v53 =	vunpack.i.l.bf16.f32 v24;
	v9 =	vadd.f32 v35, v9  }
0x1c7: {  	v6 =	vld.idx.msk [tilespmem:v6+s21+$0x0], $0xffff;
	v24 =	vunpack.i.u.bf16.f32 v24;
	v60 =	vmul.f32 v54, v1;
	v31 =	vmul.f32 v53, v4  }
0x1c8: {  	v5 =	vadd.f32 v27, v5;
	v13 =	vadd.f32 v37, v13;
	v4 =	vmul.f32 v24, v4  }
0x1c9: {  	v16 =	vadd.f32 v17, v16;
	v20 =	vmul.bf16 v20, v26;
	v26 =	vunpack.i.u.bf16.f32 v25  }
0x1ca: {  	v25 =	vunpack.i.l.bf16.f32 v25;
	v29 =	vmul.bf16 v52, v50;
	v22 =	vmul.bf16 v36, v22  }
0x1cb: {  	v8 =	vadd.f32 v31, v8;
	v10 =	vmul.bf16 v10, v19;
	v58 =	vmul.f32 v25, v3  }
0x1cc: {  	v26 =	vmul.f32 v26, v3;
	v6 =	vmul.bf16 v6, v7;
	v0 =	vadd.f32 v4, v0  }
0x1cd: {  	v4 =	vadd.f32 v28, v13;
	v13 =	vadd.f32 v23, v15;
	v56 =	vunpack.i.u.bf16.f32 v20  }
0x1ce: {  	v63 =	vunpack.i.l.bf16.f32 v20;
	v25 =	vunpack.i.l.bf16.f32 v29;
	v27 =	vunpack.i.u.bf16.f32 v10  }
0x1cf: {  	v10 =	vunpack.i.l.bf16.f32 v10;
	v61 =	vunpack.i.u.bf16.f32 v22;
	v5 =	vadd.f32 v58, v5  }
0x1d0: {  	v9 =	vadd.f32 v26, v9;
	v7 =	vmul.f32 v63, v2;
	v2 =	vmul.f32 v56, v2  }
0x1d1: {  	v13 =	vadd.f32 v38, v13;
	v25 =	vmul.f32 v25, v1;
	v27 =	vmul.f32 v27, v3  }
0x1d2: {  	v3 =	vmul.f32 v10, v3;
	v10 =	vadd.f32 v30, v14;
	v14 =	vunpack.i.l.bf16.f32 v22  }
0x1d3: {  	v62 =	vmul.f32 v61, v1;
	v5 =	vadd.f32 v12, v5;
	v11 =	vadd.f32 v11, v9  }
0x1d4: {  	v9 =	vunpack.i.u.bf16.f32 v6;
	v6 =	vunpack.i.l.bf16.f32 v6;
	v3 =	vadd.f32 v3, v8  }
0x1d5: {  	v0 =	vadd.f32 v27, v0;
	v8 =	vmul.f32 v14, v1;
	v24 =	vadd.f32 v25, v4  }
0x1d6: {  	v3 =	vadd.f32 v7, v3;
	v7 =	vadd.f32 v21, v10;
	v10 =	vmul.f32 v55, v1  }
.Ltmp15:
0x1d7: {  	v12 =	vadd.f32 v2, v0;
	v0 =	vunpack.i.u.bf16.f32 v29;
	v2 =	vadd.f32 v60, v5;
	(pc) =	sbr.rel @p0 .LBB2_34-.Ltmp15, $4  }
0x1d8: {  	v4 =	vmul.f32 v0, v1;
	v0 =	vmul.f32 v6, v1;
	v6 =	vadd.f32 v49, v16  }
0x1d9: {  	v1 =	vmul.f32 v9, v1;
	v9 =	vadd.f32 v8, v13;
	v5 =	vadd.f32 v62, v7  }
0x1da: {  	v7 =	vadd.f32 v10, v11;
	v0 =	vadd.f32 v0, v3  }
0x1db: {  	v1 =	vadd.f32 v1, v12;
	v14 =	vadd.f32 v4, v6  }
0x1dc: {  	s0 =	smul.u32 $0x1900, s29;
	_ =	sdelay $0x1  }
0x1dd: {  	s0 =	sshrl.u32 s0, $0x3  }
0x1de: {  	s0 =	sadd.s32 $0x4B0, s0  }
0x1df: {  	s30 =	simm.s32 $0x16300;
	s1 =	sadd.s32 s5, s0  }
0x1e0: {  	s31 =	simm.s32 $0x10;
	s2 =	simm.s32 $0x16400;
	s16 =	sadd.s32 $0x0, s1  }
.LBB2_30:
0x1e1: {  	[tilespmem:s30], [sflag:$0x2] =	stream.linear.gather [hbm4b:s16+s4], $0x80, $0x38;
	[tilespmem:$0x19500] =	vst v63  }
0x1e2: {  	s16 =	smov.u32 s31;
	s30 =	smov.u32 s2;
	p0 =	sne.s32 s31, $0x180  }
.Ltmp16:
0x1e3: {  	s31 =	sadd.s32 $0x10, s31;
	(pc) =	sbr.rel @p0 .LBB2_30-.Ltmp16, $2  }
0x1e4: {  	_ =	sdelay $0x2  }
0x1e5: {  	s2 =	sadd.s32 $0x100, s2;
	s16 =	sadd.s32 s16, s1  }
0x1e6: {  	[tilespmem:s30], [sflag:$0x2] =	stream.linear.gather [hbm4b:s16+s4], $0x80, $0x38;
	[tilespmem:$0x19500] =	vst v63  }
0x1e7: {  	s0 =	sadd.s32 s3, s0;
	s1 =	simm.s32 $0x17C00  }
0x1e8: {  	s30 =	simm.s32 $0x10;
	s2 =	simm.s32 $0x17D00;
	s16 =	sadd.s32 $0x0, s0  }
.LBB2_32:
0x1e9: {  	[tilespmem:s1], [sflag:$0x2] =	stream.linear.gather [hbm4b:s16+s4], $0x80, $0x38;
	[tilespmem:$0x19500] =	vst v63  }
0x1ea: {  	s16 =	smov.u32 s30;
	s1 =	smov.u32 s2;
	p0 =	sne.s32 s30, $0x180  }
.Ltmp17:
0x1eb: {  	s30 =	sadd.s32 $0x10, s30;
	(pc) =	sbr.rel @p0 .LBB2_32-.Ltmp17, $2  }
0x1ec: {  	_ =	sdelay $0x2  }
0x1ed: {  	s2 =	sadd.s32 $0x100, s2;
	s16 =	sadd.s32 s16, s0  }
.Ltmp18:
0x1ee: {  	(pc) =	sbr.rel .LBB2_18-.Ltmp18, $3  }
0x1ef: {  	_ =	sdelay $0x1  }
0x1f0: {  	[tilespmem:s1], [sflag:$0x2] =	stream.linear.gather [hbm4b:s16+s4], $0x80, $0x38;
	[tilespmem:$0x19500] =	vst v63  }
0x1f1: {  	s29 =	sadd.s32 $0x1, s29  }
.LBB2_35:
0x1f2: {  	_ =	sfence.sel $0x180000  }
0x1f3: {  	[bflag:$0x0] =	sbarrier.arrive $0xFFFF  }
0x1f4: {  	_ =	strace $0x90000047  }
0x1f5: {  	s0 =	stileid.u32;
	[bflag:$0x2] =	sbarrier.arrive $0xFFFF  }
0x1f6: {  	p0 =	sne.s32 s0, $0x0;
	s0 =	rddreg [dreg:$0x3]  }
0x1f7: {  	s0 =	sadd.s32 @!p0 $0x100000, s0  }
0x1f8: {  	[sflag:s0] =	ssyncadd.tile.s32 @!p0 $0x1;
	_ =	shalt  }
.Lfunc_end2:
_tile_overlayer_lowered:
.L_overlay_start_2:
0x1f9: {  	(tag) =	ssettag $0x2  }
0x1fa: {  	s0 =	rddreg [dreg:$0x0];
	s2 =	stileid.u32  }
0x1fb: {  	s1 =	rddreg [dreg:$0x1];
	p0 =	sne.s32 s2, $0x0  }
0x1fc: {  	s3 =	rddreg [dreg:$0x2];
	[bflag:$0x3] =	sbarrier.arrive $0xFFFF;
	s2 =	simm.s32 @!p0 $0x1C05  }
0x1fd: {  	[timem:s3], [sflag:s2] =	dma.local @!p0 [hbm:s0], s1  }
0x1fe: {  	s0 =	simm.s32 @!p0 $0x5  }
0x1ff: {  	_ =	swait.ge @!p0 [sflag:s0], s1  }
0x200: {  	s1 =	ssub.s32 @!p0 $0x0, s1;
	[sflag:s0] =	ssyncset.done @!p0 $0x0  }
0x201: {  	[sflag:s0] =	ssyncadd.s32 @!p0 s1  }
0x202: {  	[bflag:$0x3] =	sbarrier.arrive $0xFFFF  }
0x203: {  	_ =	shalt  }

</sc_bundles>
